<compile_context>
chip_gen: v7x
topology: tpu7x:2x2x1
jax: 0.10.2.dev20260603
libtpu: 0.0.44.dev20260713+nightly
codegen_flags: <defaults>
</compile_context>

<pallas_src>
import jax
import jax.numpy as jnp
from jax import lax
from jax.experimental import pallas as pl
from jax.experimental.pallas import tpu as pltpu
from jax.experimental.pallas import tpu_sc as plsc

_B, _S, _V, _E, _H = 8, 512, 10000, 1024, 1024
_SB = _S * _B
_NC, _NS = 2, 16
_NW = _NC * _NS
_ROWS_W = _SB // _NW
_CHUNK = 32
_NCH = _ROWS_W // _CHUNK
_S_BLK = 64
_VT = 1000


def _gather_body(idx_hbm, table_hbm, out_hbm, idx_a, idx_b, rows_a, rows_b,
                 sem_a, sem_b):
    wid = lax.axis_index("s") * _NC + lax.axis_index("c")
    base = wid * _ROWS_W
    idx_bufs = [idx_a, idx_b]
    row_bufs = [rows_a, rows_b]
    sems = [sem_a, sem_b]

    def _fire(c):
        pltpu.sync_copy(idx_hbm.at[wid * _NCH + c], idx_bufs[c % 2])
        return pltpu.async_copy(table_hbm.at[idx_bufs[c % 2]], row_bufs[c % 2],
                                sems[c % 2])

    gathers = [_fire(0)]
    for c in range(1, _NCH):
        gathers.append(_fire(c))
        gathers[c - 1].wait()
        pltpu.sync_copy(row_bufs[(c - 1) % 2],
                        out_hbm.at[pl.ds(base + (c - 1) * _CHUNK, _CHUNK)])
    gathers[_NCH - 1].wait()
    pltpu.sync_copy(row_bufs[(_NCH - 1) % 2],
                    out_hbm.at[pl.ds(base + (_NCH - 1) * _CHUNK, _CHUNK)])


def _rnn_body(emb_ref, wih_ref, whh_ref, bias_ref, out_ref, h_ref, xw_ref):
    @pl.when(pl.program_id(0) == 0)
    def _init():
        h_ref[...] = jnp.zeros_like(h_ref)

    xw_ref[...] = lax.dot_general(
        emb_ref[...], wih_ref[...], (((1,), (1,)), ((), ())),
        preferred_element_type=jnp.float32) + bias_ref[...]

    whh = whh_ref[...]
    h = h_ref[...]
    for i in range(_S_BLK):
        hh = lax.dot_general(h.astype(jnp.bfloat16), whh,
                             (((1,), (0,)), ((), ())),
                             preferred_element_type=jnp.float32)
        h = jnp.tanh(xw_ref[i * _B:(i + 1) * _B, :] + hh)
        out_ref[:, i, :] = h.astype(jnp.bfloat16)
    h_ref[...] = h


def _proj_body(hs_ref, w_ref, b_ref, out_ref, wbf_ref):
    b = pl.program_id(1)

    @pl.when(b == 0)
    def _cast():
        wbf_ref[...] = w_ref[...].astype(jnp.bfloat16)

    acc = lax.dot_general(wbf_ref[...], hs_ref[b], (((1,), (1,)), ((), ())),
                          preferred_element_type=jnp.float32)
    out_ref[0] = acc + b_ref[...]


def kernel(input_sequence, emb_table, W_ih, W_hh, b_ih, b_hh, W_out, b_out):
    idx_t = jnp.swapaxes(input_sequence, 0, 1).reshape(_SB).astype(jnp.int32)

    gather = pl.kernel(
        _gather_body,
        out_type=jax.ShapeDtypeStruct((_SB, _E), jnp.float32),
        mesh=plsc.VectorSubcoreMesh(core_axis_name="c", subcore_axis_name="s"),
        scratch_types=[
            pltpu.VMEM((_CHUNK,), jnp.int32),
            pltpu.VMEM((_CHUNK,), jnp.int32),
            pltpu.VMEM((_CHUNK, _E), jnp.float32),
            pltpu.VMEM((_CHUNK, _E), jnp.float32),
            pltpu.SemaphoreType.DMA,
            pltpu.SemaphoreType.DMA,
        ],
    )
    emb = gather(idx_t.reshape(_SB // _CHUNK, _CHUNK), emb_table)

    bias = (b_ih + b_hh).reshape(1, _H)

    hs = pl.pallas_call(
        _rnn_body,
        grid=(_S // _S_BLK,),
        in_specs=[
            pl.BlockSpec((_S_BLK * _B, _E), lambda t: (t, 0)),
            pl.BlockSpec((_H, _E), lambda t: (0, 0)),
            pl.BlockSpec((_H, _H), lambda t: (0, 0)),
            pl.BlockSpec((1, _H), lambda t: (0, 0)),
        ],
        out_specs=pl.BlockSpec((_B, _S_BLK, _H), lambda t: (0, t, 0)),
        out_shape=jax.ShapeDtypeStruct((_B, _S, _H), jnp.bfloat16),
        scratch_shapes=[
            pltpu.VMEM((_B, _H), jnp.float32),
            pltpu.VMEM((_S_BLK * _B, _H), jnp.float32),
        ],
    )(emb, W_ih, W_hh.astype(jnp.bfloat16).T, bias)

    out = pl.pallas_call(
        _proj_body,
        grid=(_V // _VT, _B),
        in_specs=[
            pl.BlockSpec((_B, _S, _H), lambda v, b: (0, 0, 0)),
            pl.BlockSpec((_VT, _H), lambda v, b: (v, 0)),
            pl.BlockSpec((_VT, 1), lambda v, b: (v, 0)),
        ],
        out_specs=pl.BlockSpec((1, _VT, _S), lambda v, b: (b, v, 0)),
        out_shape=jax.ShapeDtypeStruct((_B, _V, _S), jnp.float32),
        scratch_shapes=[pltpu.VMEM((_VT, _H), jnp.bfloat16)],
    )(hs, W_out, b_out.reshape(_V, 1))

    return out

# --- scband reference (transcript-rebuilt; emitter-appended) ---
"""Pipeline reference for scband-lm-rnn-80650895884373 (READ-ONLY COPY).

The authoritative reference and input builder live on the scoring server;
editing this copy changes nothing except your own understanding.
"""

import jax, jax.numpy as jnp
import numpy as np

B, S, V, E, H = 8, 512, 10000, 1024, 1024


def setup_inputs(seed: int = 0) -> dict:
    key = jax.random.key(seed)
    ks = jax.random.split(key, 8)
    input_sequence = jax.random.randint(ks[0], (B, S), 0, V, dtype=jnp.int64 if jax.config.read('jax_enable_x64') else jnp.int32)
    emb_table = jax.random.normal(ks[1], (V, E), dtype=jnp.float32) * 0.02
    emb_table = emb_table.at[0].set(0.0)  # padding_idx=0
    k = 1.0 / np.sqrt(H)
    W_ih = jax.random.uniform(ks[2], (H, E), dtype=jnp.float32, minval=-k, maxval=k)
    W_hh = jax.random.uniform(ks[3], (H, H), dtype=jnp.float32, minval=-k, maxval=k)
    b_ih = jax.random.uniform(ks[4], (H,), dtype=jnp.float32, minval=-k, maxval=k)
    b_hh = jax.random.uniform(ks[5], (H,), dtype=jnp.float32, minval=-k, maxval=k)
    ko = 1.0 / np.sqrt(H)
    W_out = jax.random.uniform(ks[6], (V, H), dtype=jnp.float32, minval=-ko, maxval=ko)
    b_out = jax.random.uniform(ks[7], (V,), dtype=jnp.float32, minval=-ko, maxval=ko)
    return {
        'input_sequence': input_sequence,
        'emb_table': emb_table,
        'W_ih': W_ih,
        'W_hh': W_hh,
        'b_ih': b_ih,
        'b_hh': b_hh,
        'W_out': W_out,
        'b_out': b_out,
    }


def reference(input_sequence, emb_table, W_ih, W_hh, b_ih, b_hh, W_out, b_out):
    # Embedding lookup (gather), padding row is zeroed in the table itself
    emb = jnp.take(emb_table, input_sequence, axis=0)  # (B, S, E)

    # Elman RNN: h_t = tanh(x_t W_ih^T + b_ih + h_{t-1} W_hh^T + b_hh)
    x_seq = jnp.swapaxes(emb, 0, 1)  # (S, B, E)
    h0 = jnp.zeros((B, H), dtype=jnp.float32)

    def step(h, x_t):
        h_new = jnp.tanh(x_t @ W_ih.T + b_ih + h @ W_hh.T + b_hh)
        return h_new, h_new

    _, hs = jax.lax.scan(step, h0, x_seq)  # (S, B, H)
    rnn_out = jnp.swapaxes(hs, 0, 1)  # (B, S, H)

    logits = rnn_out @ W_out.T + b_out  # (B, S, V)
    output = jnp.transpose(logits, (0, 2, 1))  # (B, V, S)
    return output

if __name__ == "__main__":
    import jax
    _d = setup_inputs()
    print(jax.jit(kernel)(*tuple(_d.values())))

</pallas_src>

<mosaic_0001>
#map = affine_map<(d0, d1) -> (0, 0)>
module attributes {stable_mosaic.version = 14 : i64} {
  func.func @_gather_body(%arg0: i32, %arg1: i32, %arg2: memref<128x32xi32, #tpu.memory_space<hbm>>, %arg3: memref<10000x1024xf32, #tpu.memory_space<hbm>>, %arg4: memref<4096x1024xf32, #tpu.memory_space<hbm>>, %arg5: memref<32xi32, #tpu.memory_space<vmem>>, %arg6: memref<32xi32, #tpu.memory_space<vmem>>, %arg7: memref<32x1024xf32, #tpu.memory_space<vmem>>, %arg8: memref<32x1024xf32, #tpu.memory_space<vmem>>, %arg9: memref<!tpu.dma_semaphore, #tpu.memory_space<semaphore_mem>>, %arg10: memref<!tpu.dma_semaphore, #tpu.memory_space<semaphore_mem>>) attributes {dimension_semantics = [#tpu.dimension_semantics<core_parallel>, #tpu.dimension_semantics<subcore_parallel>], iteration_bounds = array<i64: 2, 16>, scalar_prefetch = 0 : i64, scratch_operands = 6 : i64, tpu.core_type = #tpu.core_type<sc_vector_subcore>, window_params = [{transform_indices = #map}, {transform_indices = #map}, {transform_indices = #map}]} {
    %mul3A = arith.constant 2 : i32
    %mul3A_0 = arith.muli %arg1, %mul3A : i32
    %add3A = arith.addi %mul3A_0, %arg0 : i32
    %mul3A_1 = arith.constant 128 : i32
    %mul3A_2 = arith.muli %add3A, %mul3A_1 : i32
    %mul3A_3 = arith.constant 4 : i32
    %mul3A_4 = arith.muli %add3A, %mul3A_3 : i32
    %add3A_5 = arith.constant 0 : i32
    %add3A_6 = arith.addi %mul3A_4, %add3A_5 : i32
    "tpu.region"() ({
      %run_scoped3A = tpu.sem_alloc : memref<!tpu.dma_semaphore, #tpu.memory_space<semaphore_mem>>
      %dma_start3A_49 = arith.constant 0 : i32
      %dma_start3A_50 = tpu.memref_slice %arg2[%add3A_6, %dma_start3A_49] : memref<128x32xi32, #tpu.memory_space<hbm>> -> memref<1x32xi32, #tpu.memory_space<hbm>>
      %dma_start3A_51 = tpu.memref_squeeze %dma_start3A_50 : memref<1x32xi32, #tpu.memory_space<hbm>> -> memref<32xi32, #tpu.memory_space<hbm>>
      %dma_start3A_52 = arith.constant 0 : i32
      %dma_start3A_53 = tpu.memref_slice %arg2[%add3A_6, %dma_start3A_52] : memref<128x32xi32, #tpu.memory_space<hbm>> -> memref<1x32xi32, #tpu.memory_space<hbm>>
      %dma_start3A_54 = tpu.memref_squeeze %dma_start3A_53 : memref<1x32xi32, #tpu.memory_space<hbm>> -> memref<32xi32, #tpu.memory_space<hbm>>
      tpu.enqueue_dma source(%dma_start3A_54 : memref<32xi32, #tpu.memory_space<hbm>>) target(%arg5 : memref<32xi32, #tpu.memory_space<vmem>>) target_semaphore(%run_scoped3A : memref<!tpu.dma_semaphore, #tpu.memory_space<semaphore_mem>>)
      %dma_wait3A_55 = arith.constant 0 : i32
      %dma_wait3A_56 = tpu.memref_slice %arg2[%add3A_6, %dma_wait3A_55] : memref<128x32xi32, #tpu.memory_space<hbm>> -> memref<1x32xi32, #tpu.memory_space<hbm>>
      %dma_wait3A_57 = tpu.memref_squeeze %dma_wait3A_56 : memref<1x32xi32, #tpu.memory_space<hbm>> -> memref<32xi32, #tpu.memory_space<hbm>>
      %dma_wait3A_58 = arith.constant 0 : i32
      %dma_wait3A_59 = tpu.memref_slice %arg2[%add3A_6, %dma_wait3A_58] : memref<128x32xi32, #tpu.memory_space<hbm>> -> memref<1x32xi32, #tpu.memory_space<hbm>>
      %dma_wait3A_60 = tpu.memref_squeeze %dma_wait3A_59 : memref<1x32xi32, #tpu.memory_space<hbm>> -> memref<32xi32, #tpu.memory_space<hbm>>
      tpu.wait_dma2 semaphore(%run_scoped3A : memref<!tpu.dma_semaphore, #tpu.memory_space<semaphore_mem>>) src(%dma_wait3A_60 : memref<32xi32, #tpu.memory_space<hbm>>) dst(%arg5 : memref<32xi32, #tpu.memory_space<vmem>>)
      tpu.yield
    }) : () -> ()
    %dma_start3A = arith.constant 0 : i32
    %dma_start3A_7 = arith.constant 0 : i32
    %dma_start3A_8 = tpu.memref_slice %arg3[%dma_start3A, %dma_start3A_7] : memref<10000x1024xf32, #tpu.memory_space<hbm>> -> memref<10000x1024xf32, #tpu.memory_space<hbm>>
    tpu.enqueue_indirect_dma source(%dma_start3A_8 : memref<10000x1024xf32, #tpu.memory_space<hbm>>) target(%arg7 : memref<32x1024xf32, #tpu.memory_space<vmem>>) offsets(%arg5 : memref<32xi32, #tpu.memory_space<vmem>>) semaphore(%arg9 : memref<!tpu.dma_semaphore, #tpu.memory_space<semaphore_mem>>)
    %mul3A_9 = arith.constant 4 : i32
    %mul3A_10 = arith.muli %add3A, %mul3A_9 : i32
    %add3A_11 = arith.constant 1 : i32
    %add3A_12 = arith.addi %mul3A_10, %add3A_11 : i32
    "tpu.region"() ({
      %run_scoped3A = tpu.sem_alloc : memref<!tpu.dma_semaphore, #tpu.memory_space<semaphore_mem>>
      %dma_start3A_49 = arith.constant 0 : i32
      %dma_start3A_50 = tpu.memref_slice %arg2[%add3A_12, %dma_start3A_49] : memref<128x32xi32, #tpu.memory_space<hbm>> -> memref<1x32xi32, #tpu.memory_space<hbm>>
      %dma_start3A_51 = tpu.memref_squeeze %dma_start3A_50 : memref<1x32xi32, #tpu.memory_space<hbm>> -> memref<32xi32, #tpu.memory_space<hbm>>
      %dma_start3A_52 = arith.constant 0 : i32
      %dma_start3A_53 = tpu.memref_slice %arg2[%add3A_12, %dma_start3A_52] : memref<128x32xi32, #tpu.memory_space<hbm>> -> memref<1x32xi32, #tpu.memory_space<hbm>>
      %dma_start3A_54 = tpu.memref_squeeze %dma_start3A_53 : memref<1x32xi32, #tpu.memory_space<hbm>> -> memref<32xi32, #tpu.memory_space<hbm>>
      tpu.enqueue_dma source(%dma_start3A_54 : memref<32xi32, #tpu.memory_space<hbm>>) target(%arg6 : memref<32xi32, #tpu.memory_space<vmem>>) target_semaphore(%run_scoped3A : memref<!tpu.dma_semaphore, #tpu.memory_space<semaphore_mem>>)
      %dma_wait3A_55 = arith.constant 0 : i32
      %dma_wait3A_56 = tpu.memref_slice %arg2[%add3A_12, %dma_wait3A_55] : memref<128x32xi32, #tpu.memory_space<hbm>> -> memref<1x32xi32, #tpu.memory_space<hbm>>
      %dma_wait3A_57 = tpu.memref_squeeze %dma_wait3A_56 : memref<1x32xi32, #tpu.memory_space<hbm>> -> memref<32xi32, #tpu.memory_space<hbm>>
      %dma_wait3A_58 = arith.constant 0 : i32
      %dma_wait3A_59 = tpu.memref_slice %arg2[%add3A_12, %dma_wait3A_58] : memref<128x32xi32, #tpu.memory_space<hbm>> -> memref<1x32xi32, #tpu.memory_space<hbm>>
      %dma_wait3A_60 = tpu.memref_squeeze %dma_wait3A_59 : memref<1x32xi32, #tpu.memory_space<hbm>> -> memref<32xi32, #tpu.memory_space<hbm>>
      tpu.wait_dma2 semaphore(%run_scoped3A : memref<!tpu.dma_semaphore, #tpu.memory_space<semaphore_mem>>) src(%dma_wait3A_60 : memref<32xi32, #tpu.memory_space<hbm>>) dst(%arg6 : memref<32xi32, #tpu.memory_space<vmem>>)
      tpu.yield
    }) : () -> ()
    %dma_start3A_13 = arith.constant 0 : i32
    %dma_start3A_14 = arith.constant 0 : i32
    %dma_start3A_15 = tpu.memref_slice %arg3[%dma_start3A_13, %dma_start3A_14] : memref<10000x1024xf32, #tpu.memory_space<hbm>> -> memref<10000x1024xf32, #tpu.memory_space<hbm>>
    tpu.enqueue_indirect_dma source(%dma_start3A_15 : memref<10000x1024xf32, #tpu.memory_space<hbm>>) target(%arg8 : memref<32x1024xf32, #tpu.memory_space<vmem>>) offsets(%arg6 : memref<32xi32, #tpu.memory_space<vmem>>) semaphore(%arg10 : memref<!tpu.dma_semaphore, #tpu.memory_space<semaphore_mem>>)
    %dma_wait3A = arith.constant 0 : i32
    %dma_wait3A_16 = arith.constant 0 : i32
    %dma_wait3A_17 = tpu.memref_slice %arg3[%dma_wait3A, %dma_wait3A_16] : memref<10000x1024xf32, #tpu.memory_space<hbm>> -> memref<10000x1024xf32, #tpu.memory_space<hbm>>
    tpu.wait_indirect_dma semaphore(%arg9 : memref<!tpu.dma_semaphore, #tpu.memory_space<semaphore_mem>>) src(%dma_wait3A_17 : memref<10000x1024xf32, #tpu.memory_space<hbm>>) dst(%arg7 : memref<32x1024xf32, #tpu.memory_space<vmem>>)
    %add3A_18 = arith.constant 0 : i32
    %add3A_19 = arith.addi %mul3A_2, %add3A_18 : i32
    "tpu.region"() ({
      %run_scoped3A = tpu.sem_alloc : memref<!tpu.dma_semaphore, #tpu.memory_space<semaphore_mem>>
      %dma_start3A_49 = arith.constant 0 : i32
      %dma_start3A_50 = tpu.memref_slice %arg4[%add3A_19, %dma_start3A_49] : memref<4096x1024xf32, #tpu.memory_space<hbm>> -> memref<32x1024xf32, #tpu.memory_space<hbm>>
      %dma_start3A_51 = arith.constant 0 : i32
      %dma_start3A_52 = tpu.memref_slice %arg4[%add3A_19, %dma_start3A_51] : memref<4096x1024xf32, #tpu.memory_space<hbm>> -> memref<32x1024xf32, #tpu.memory_space<hbm>>
      tpu.enqueue_dma source(%arg7 : memref<32x1024xf32, #tpu.memory_space<vmem>>) target(%dma_start3A_52 : memref<32x1024xf32, #tpu.memory_space<hbm>>) target_semaphore(%run_scoped3A : memref<!tpu.dma_semaphore, #tpu.memory_space<semaphore_mem>>)
      %dma_wait3A_53 = arith.constant 0 : i32
      %dma_wait3A_54 = tpu.memref_slice %arg4[%add3A_19, %dma_wait3A_53] : memref<4096x1024xf32, #tpu.memory_space<hbm>> -> memref<32x1024xf32, #tpu.memory_space<hbm>>
      %dma_wait3A_55 = arith.constant 0 : i32
      %dma_wait3A_56 = tpu.memref_slice %arg4[%add3A_19, %dma_wait3A_55] : memref<4096x1024xf32, #tpu.memory_space<hbm>> -> memref<32x1024xf32, #tpu.memory_space<hbm>>
      tpu.wait_dma2 semaphore(%run_scoped3A : memref<!tpu.dma_semaphore, #tpu.memory_space<semaphore_mem>>) src(%arg7 : memref<32x1024xf32, #tpu.memory_space<vmem>>) dst(%dma_wait3A_56 : memref<32x1024xf32, #tpu.memory_space<hbm>>)
      tpu.yield
    }) : () -> ()
    %mul3A_20 = arith.constant 4 : i32
    %mul3A_21 = arith.muli %add3A, %mul3A_20 : i32
    %add3A_22 = arith.constant 2 : i32
    %add3A_23 = arith.addi %mul3A_21, %add3A_22 : i32
    "tpu.region"() ({
      %run_scoped3A = tpu.sem_alloc : memref<!tpu.dma_semaphore, #tpu.memory_space<semaphore_mem>>
      %dma_start3A_49 = arith.constant 0 : i32
      %dma_start3A_50 = tpu.memref_slice %arg2[%add3A_23, %dma_start3A_49] : memref<128x32xi32, #tpu.memory_space<hbm>> -> memref<1x32xi32, #tpu.memory_space<hbm>>
      %dma_start3A_51 = tpu.memref_squeeze %dma_start3A_50 : memref<1x32xi32, #tpu.memory_space<hbm>> -> memref<32xi32, #tpu.memory_space<hbm>>
      %dma_start3A_52 = arith.constant 0 : i32
      %dma_start3A_53 = tpu.memref_slice %arg2[%add3A_23, %dma_start3A_52] : memref<128x32xi32, #tpu.memory_space<hbm>> -> memref<1x32xi32, #tpu.memory_space<hbm>>
      %dma_start3A_54 = tpu.memref_squeeze %dma_start3A_53 : memref<1x32xi32, #tpu.memory_space<hbm>> -> memref<32xi32, #tpu.memory_space<hbm>>
      tpu.enqueue_dma source(%dma_start3A_54 : memref<32xi32, #tpu.memory_space<hbm>>) target(%arg5 : memref<32xi32, #tpu.memory_space<vmem>>) target_semaphore(%run_scoped3A : memref<!tpu.dma_semaphore, #tpu.memory_space<semaphore_mem>>)
      %dma_wait3A_55 = arith.constant 0 : i32
      %dma_wait3A_56 = tpu.memref_slice %arg2[%add3A_23, %dma_wait3A_55] : memref<128x32xi32, #tpu.memory_space<hbm>> -> memref<1x32xi32, #tpu.memory_space<hbm>>
      %dma_wait3A_57 = tpu.memref_squeeze %dma_wait3A_56 : memref<1x32xi32, #tpu.memory_space<hbm>> -> memref<32xi32, #tpu.memory_space<hbm>>
      %dma_wait3A_58 = arith.constant 0 : i32
      %dma_wait3A_59 = tpu.memref_slice %arg2[%add3A_23, %dma_wait3A_58] : memref<128x32xi32, #tpu.memory_space<hbm>> -> memref<1x32xi32, #tpu.memory_space<hbm>>
      %dma_wait3A_60 = tpu.memref_squeeze %dma_wait3A_59 : memref<1x32xi32, #tpu.memory_space<hbm>> -> memref<32xi32, #tpu.memory_space<hbm>>
      tpu.wait_dma2 semaphore(%run_scoped3A : memref<!tpu.dma_semaphore, #tpu.memory_space<semaphore_mem>>) src(%dma_wait3A_60 : memref<32xi32, #tpu.memory_space<hbm>>) dst(%arg5 : memref<32xi32, #tpu.memory_space<vmem>>)
      tpu.yield
    }) : () -> ()
    %dma_start3A_24 = arith.constant 0 : i32
    %dma_start3A_25 = arith.constant 0 : i32
    %dma_start3A_26 = tpu.memref_slice %arg3[%dma_start3A_24, %dma_start3A_25] : memref<10000x1024xf32, #tpu.memory_space<hbm>> -> memref<10000x1024xf32, #tpu.memory_space<hbm>>
    tpu.enqueue_indirect_dma source(%dma_start3A_26 : memref<10000x1024xf32, #tpu.memory_space<hbm>>) target(%arg7 : memref<32x1024xf32, #tpu.memory_space<vmem>>) offsets(%arg5 : memref<32xi32, #tpu.memory_space<vmem>>) semaphore(%arg9 : memref<!tpu.dma_semaphore, #tpu.memory_space<semaphore_mem>>)
    %dma_wait3A_27 = arith.constant 0 : i32
    %dma_wait3A_28 = arith.constant 0 : i32
    %dma_wait3A_29 = tpu.memref_slice %arg3[%dma_wait3A_27, %dma_wait3A_28] : memref<10000x1024xf32, #tpu.memory_space<hbm>> -> memref<10000x1024xf32, #tpu.memory_space<hbm>>
    tpu.wait_indirect_dma semaphore(%arg10 : memref<!tpu.dma_semaphore, #tpu.memory_space<semaphore_mem>>) src(%dma_wait3A_29 : memref<10000x1024xf32, #tpu.memory_space<hbm>>) dst(%arg8 : memref<32x1024xf32, #tpu.memory_space<vmem>>)
    %add3A_30 = arith.constant 32 : i32
    %add3A_31 = arith.addi %mul3A_2, %add3A_30 : i32
    "tpu.region"() ({
      %run_scoped3A = tpu.sem_alloc : memref<!tpu.dma_semaphore, #tpu.memory_space<semaphore_mem>>
      %dma_start3A_49 = arith.constant 0 : i32
      %dma_start3A_50 = tpu.memref_slice %arg4[%add3A_31, %dma_start3A_49] : memref<4096x1024xf32, #tpu.memory_space<hbm>> -> memref<32x1024xf32, #tpu.memory_space<hbm>>
      %dma_start3A_51 = arith.constant 0 : i32
      %dma_start3A_52 = tpu.memref_slice %arg4[%add3A_31, %dma_start3A_51] : memref<4096x1024xf32, #tpu.memory_space<hbm>> -> memref<32x1024xf32, #tpu.memory_space<hbm>>
      tpu.enqueue_dma source(%arg8 : memref<32x1024xf32, #tpu.memory_space<vmem>>) target(%dma_start3A_52 : memref<32x1024xf32, #tpu.memory_space<hbm>>) target_semaphore(%run_scoped3A : memref<!tpu.dma_semaphore, #tpu.memory_space<semaphore_mem>>)
      %dma_wait3A_53 = arith.constant 0 : i32
      %dma_wait3A_54 = tpu.memref_slice %arg4[%add3A_31, %dma_wait3A_53] : memref<4096x1024xf32, #tpu.memory_space<hbm>> -> memref<32x1024xf32, #tpu.memory_space<hbm>>
      %dma_wait3A_55 = arith.constant 0 : i32
      %dma_wait3A_56 = tpu.memref_slice %arg4[%add3A_31, %dma_wait3A_55] : memref<4096x1024xf32, #tpu.memory_space<hbm>> -> memref<32x1024xf32, #tpu.memory_space<hbm>>
      tpu.wait_dma2 semaphore(%run_scoped3A : memref<!tpu.dma_semaphore, #tpu.memory_space<semaphore_mem>>) src(%arg8 : memref<32x1024xf32, #tpu.memory_space<vmem>>) dst(%dma_wait3A_56 : memref<32x1024xf32, #tpu.memory_space<hbm>>)
      tpu.yield
    }) : () -> ()
    %mul3A_32 = arith.constant 4 : i32
    %mul3A_33 = arith.muli %add3A, %mul3A_32 : i32
    %add3A_34 = arith.constant 3 : i32
    %add3A_35 = arith.addi %mul3A_33, %add3A_34 : i32
    "tpu.region"() ({
      %run_scoped3A = tpu.sem_alloc : memref<!tpu.dma_semaphore, #tpu.memory_space<semaphore_mem>>
      %dma_start3A_49 = arith.constant 0 : i32
      %dma_start3A_50 = tpu.memref_slice %arg2[%add3A_35, %dma_start3A_49] : memref<128x32xi32, #tpu.memory_space<hbm>> -> memref<1x32xi32, #tpu.memory_space<hbm>>
      %dma_start3A_51 = tpu.memref_squeeze %dma_start3A_50 : memref<1x32xi32, #tpu.memory_space<hbm>> -> memref<32xi32, #tpu.memory_space<hbm>>
      %dma_start3A_52 = arith.constant 0 : i32
      %dma_start3A_53 = tpu.memref_slice %arg2[%add3A_35, %dma_start3A_52] : memref<128x32xi32, #tpu.memory_space<hbm>> -> memref<1x32xi32, #tpu.memory_space<hbm>>
      %dma_start3A_54 = tpu.memref_squeeze %dma_start3A_53 : memref<1x32xi32, #tpu.memory_space<hbm>> -> memref<32xi32, #tpu.memory_space<hbm>>
      tpu.enqueue_dma source(%dma_start3A_54 : memref<32xi32, #tpu.memory_space<hbm>>) target(%arg6 : memref<32xi32, #tpu.memory_space<vmem>>) target_semaphore(%run_scoped3A : memref<!tpu.dma_semaphore, #tpu.memory_space<semaphore_mem>>)
      %dma_wait3A_55 = arith.constant 0 : i32
      %dma_wait3A_56 = tpu.memref_slice %arg2[%add3A_35, %dma_wait3A_55] : memref<128x32xi32, #tpu.memory_space<hbm>> -> memref<1x32xi32, #tpu.memory_space<hbm>>
      %dma_wait3A_57 = tpu.memref_squeeze %dma_wait3A_56 : memref<1x32xi32, #tpu.memory_space<hbm>> -> memref<32xi32, #tpu.memory_space<hbm>>
      %dma_wait3A_58 = arith.constant 0 : i32
      %dma_wait3A_59 = tpu.memref_slice %arg2[%add3A_35, %dma_wait3A_58] : memref<128x32xi32, #tpu.memory_space<hbm>> -> memref<1x32xi32, #tpu.memory_space<hbm>>
      %dma_wait3A_60 = tpu.memref_squeeze %dma_wait3A_59 : memref<1x32xi32, #tpu.memory_space<hbm>> -> memref<32xi32, #tpu.memory_space<hbm>>
      tpu.wait_dma2 semaphore(%run_scoped3A : memref<!tpu.dma_semaphore, #tpu.memory_space<semaphore_mem>>) src(%dma_wait3A_60 : memref<32xi32, #tpu.memory_space<hbm>>) dst(%arg6 : memref<32xi32, #tpu.memory_space<vmem>>)
      tpu.yield
    }) : () -> ()
    %dma_start3A_36 = arith.constant 0 : i32
    %dma_start3A_37 = arith.constant 0 : i32
    %dma_start3A_38 = tpu.memref_slice %arg3[%dma_start3A_36, %dma_start3A_37] : memref<10000x1024xf32, #tpu.memory_space<hbm>> -> memref<10000x1024xf32, #tpu.memory_space<hbm>>
    tpu.enqueue_indirect_dma source(%dma_start3A_38 : memref<10000x1024xf32, #tpu.memory_space<hbm>>) target(%arg8 : memref<32x1024xf32, #tpu.memory_space<vmem>>) offsets(%arg6 : memref<32xi32, #tpu.memory_space<vmem>>) semaphore(%arg10 : memref<!tpu.dma_semaphore, #tpu.memory_space<semaphore_mem>>)
    %dma_wait3A_39 = arith.constant 0 : i32
    %dma_wait3A_40 = arith.constant 0 : i32
    %dma_wait3A_41 = tpu.memref_slice %arg3[%dma_wait3A_39, %dma_wait3A_40] : memref<10000x1024xf32, #tpu.memory_space<hbm>> -> memref<10000x1024xf32, #tpu.memory_space<hbm>>
    tpu.wait_indirect_dma semaphore(%arg9 : memref<!tpu.dma_semaphore, #tpu.memory_space<semaphore_mem>>) src(%dma_wait3A_41 : memref<10000x1024xf32, #tpu.memory_space<hbm>>) dst(%arg7 : memref<32x1024xf32, #tpu.memory_space<vmem>>)
    %add3A_42 = arith.constant 64 : i32
    %add3A_43 = arith.addi %mul3A_2, %add3A_42 : i32
    "tpu.region"() ({
      %run_scoped3A = tpu.sem_alloc : memref<!tpu.dma_semaphore, #tpu.memory_space<semaphore_mem>>
      %dma_start3A_49 = arith.constant 0 : i32
      %dma_start3A_50 = tpu.memref_slice %arg4[%add3A_43, %dma_start3A_49] : memref<4096x1024xf32, #tpu.memory_space<hbm>> -> memref<32x1024xf32, #tpu.memory_space<hbm>>
      %dma_start3A_51 = arith.constant 0 : i32
      %dma_start3A_52 = tpu.memref_slice %arg4[%add3A_43, %dma_start3A_51] : memref<4096x1024xf32, #tpu.memory_space<hbm>> -> memref<32x1024xf32, #tpu.memory_space<hbm>>
      tpu.enqueue_dma source(%arg7 : memref<32x1024xf32, #tpu.memory_space<vmem>>) target(%dma_start3A_52 : memref<32x1024xf32, #tpu.memory_space<hbm>>) target_semaphore(%run_scoped3A : memref<!tpu.dma_semaphore, #tpu.memory_space<semaphore_mem>>)
      %dma_wait3A_53 = arith.constant 0 : i32
      %dma_wait3A_54 = tpu.memref_slice %arg4[%add3A_43, %dma_wait3A_53] : memref<4096x1024xf32, #tpu.memory_space<hbm>> -> memref<32x1024xf32, #tpu.memory_space<hbm>>
      %dma_wait3A_55 = arith.constant 0 : i32
      %dma_wait3A_56 = tpu.memref_slice %arg4[%add3A_43, %dma_wait3A_55] : memref<4096x1024xf32, #tpu.memory_space<hbm>> -> memref<32x1024xf32, #tpu.memory_space<hbm>>
      tpu.wait_dma2 semaphore(%run_scoped3A : memref<!tpu.dma_semaphore, #tpu.memory_space<semaphore_mem>>) src(%arg7 : memref<32x1024xf32, #tpu.memory_space<vmem>>) dst(%dma_wait3A_56 : memref<32x1024xf32, #tpu.memory_space<hbm>>)
      tpu.yield
    }) : () -> ()
    %dma_wait3A_44 = arith.constant 0 : i32
    %dma_wait3A_45 = arith.constant 0 : i32
    %dma_wait3A_46 = tpu.memref_slice %arg3[%dma_wait3A_44, %dma_wait3A_45] : memref<10000x1024xf32, #tpu.memory_space<hbm>> -> memref<10000x1024xf32, #tpu.memory_space<hbm>>
    tpu.wait_indirect_dma semaphore(%arg10 : memref<!tpu.dma_semaphore, #tpu.memory_space<semaphore_mem>>) src(%dma_wait3A_46 : memref<10000x1024xf32, #tpu.memory_space<hbm>>) dst(%arg8 : memref<32x1024xf32, #tpu.memory_space<vmem>>)
    %add3A_47 = arith.constant 96 : i32
    %add3A_48 = arith.addi %mul3A_2, %add3A_47 : i32
    "tpu.region"() ({
      %run_scoped3A = tpu.sem_alloc : memref<!tpu.dma_semaphore, #tpu.memory_space<semaphore_mem>>
      %dma_start3A_49 = arith.constant 0 : i32
      %dma_start3A_50 = tpu.memref_slice %arg4[%add3A_48, %dma_start3A_49] : memref<4096x1024xf32, #tpu.memory_space<hbm>> -> memref<32x1024xf32, #tpu.memory_space<hbm>>
      %dma_start3A_51 = arith.constant 0 : i32
      %dma_start3A_52 = tpu.memref_slice %arg4[%add3A_48, %dma_start3A_51] : memref<4096x1024xf32, #tpu.memory_space<hbm>> -> memref<32x1024xf32, #tpu.memory_space<hbm>>
      tpu.enqueue_dma source(%arg8 : memref<32x1024xf32, #tpu.memory_space<vmem>>) target(%dma_start3A_52 : memref<32x1024xf32, #tpu.memory_space<hbm>>) target_semaphore(%run_scoped3A : memref<!tpu.dma_semaphore, #tpu.memory_space<semaphore_mem>>)
      %dma_wait3A_53 = arith.constant 0 : i32
      %dma_wait3A_54 = tpu.memref_slice %arg4[%add3A_48, %dma_wait3A_53] : memref<4096x1024xf32, #tpu.memory_space<hbm>> -> memref<32x1024xf32, #tpu.memory_space<hbm>>
      %dma_wait3A_55 = arith.constant 0 : i32
      %dma_wait3A_56 = tpu.memref_slice %arg4[%add3A_48, %dma_wait3A_55] : memref<4096x1024xf32, #tpu.memory_space<hbm>> -> memref<32x1024xf32, #tpu.memory_space<hbm>>
      tpu.wait_dma2 semaphore(%run_scoped3A : memref<!tpu.dma_semaphore, #tpu.memory_space<semaphore_mem>>) src(%arg8 : memref<32x1024xf32, #tpu.memory_space<vmem>>) dst(%dma_wait3A_56 : memref<32x1024xf32, #tpu.memory_space<hbm>>)
      tpu.yield
    }) : () -> ()
    return
  }
}

module attributes {stable_mosaic.version = 14 : i64} {
  func.func @_proj_body(%arg0: i32, %arg1: i32, %arg2: memref<8x512x1024xbf16, #tpu.memory_space<vmem>>, %arg3: memref<1000x1024xf32, #tpu.memory_space<vmem>>, %arg4: memref<1000x1xf32, #tpu.memory_space<vmem>>, %arg5: memref<1x1000x512xf32, #tpu.memory_space<vmem>>, %arg6: memref<1000x1024xbf16, #tpu.memory_space<vmem>>) attributes {dimension_semantics = [#tpu.dimension_semantics<arbitrary>, #tpu.dimension_semantics<arbitrary>], iteration_bounds = array<i64: 10, 8>, scalar_prefetch = 0 : i64, scratch_operands = 1 : i64, tpu.core_type = #tpu.core_type<tc>, window_params = [{pipeline_mode = #tpu.pipeline_mode<synchronous>, transform_indices = @transform_0, window_bounds = array<i64: 8, 512, 1024>}, {transform_indices = @transform_1, window_bounds = array<i64: 1000, 1024>}, {transform_indices = @transform_2, window_bounds = array<i64: 1000, 1>}, {transform_indices = @transform_3, window_bounds = array<i64: 1, 1000, 512>}]} {
    %eq3A = arith.constant 0 : i32
    %eq3A_0 = arith.cmpi eq, %arg1, %eq3A : i32
    %convert_element_type3A = arith.extui %eq3A_0 : i1 to i32
    %cond3A = arith.constant 0 : i32
    %cond3A_1 = arith.cmpi ne, %convert_element_type3A, %cond3A : i32
    scf.if %cond3A_1 {
      %get3A_19 = arith.constant 0 : index
      %get3A_20 = arith.constant 0 : index
      %get3A_21 = vector.load %arg3[%get3A_19, %get3A_20] : memref<1000x1024xf32, #tpu.memory_space<vmem>>, vector<1000x1024xf32>
      %convert_element_type3A_22 = arith.truncf %get3A_21 : vector<1000x1024xf32> to vector<1000x1024xbf16>
      %swap3A_23 = arith.constant 0 : index
      %swap3A_24 = arith.constant 0 : index
      %swap3A_25 = vector.load %arg6[%swap3A_23, %swap3A_24] : memref<1000x1024xbf16, #tpu.memory_space<vmem>>, vector<1000x1024xbf16>
      tpu.vector_store %arg6[%swap3A_23, %swap3A_24], %convert_element_type3A_22 {strides = array<i32>} : memref<1000x1024xbf16, #tpu.memory_space<vmem>>, vector<1000x1024xbf16>,
    } else {
    }
    %get3A = arith.constant 0 : index
    %get3A_2 = arith.constant 0 : index
    %get3A_3 = vector.load %arg6[%get3A, %get3A_2] : memref<1000x1024xbf16, #tpu.memory_space<vmem>>, vector<1000x1024xbf16>
    %get3A_4 = arith.index_cast %arg1 : i32 to index
    %get3A_5 = arith.constant 0 : index
    %get3A_6 = arith.constant 0 : index
    %get3A_7 = vector.load %arg2[%get3A_4, %get3A_5, %get3A_6] : memref<8x512x1024xbf16, #tpu.memory_space<vmem>>, vector<1x512x1024xbf16>
    %get3A_8 = vector.shape_cast %get3A_7 : vector<1x512x1024xbf16> to vector<512x1024xbf16>
    %dot_general3A = arith.constant dense<0.000000e+00> : vector<1000x512xf32>
    %dot_general3A_9 = tpu.matmul %get3A_3, %get3A_8, %dot_general3A {dimension_numbers = #tpu.dot_dimension_numbers<[1], [1], [0], [0], [0, 0, 1, 0], [], []>, transpose_lhs_hint = false} : vector<1000x1024xbf16>, vector<512x1024xbf16>, vector<1000x512xf32> -> vector<1000x512xf32>
    %get3A_10 = arith.constant 0 : index
    %get3A_11 = arith.constant 0 : index
    %get3A_12 = vector.load %arg4[%get3A_10, %get3A_11] : memref<1000x1xf32, #tpu.memory_space<vmem>>, vector<1000x1xf32>
    %add3A = vector.broadcast %get3A_12 : vector<1000x1xf32> to vector<1000x512xf32>
    %add3A_13 = arith.addf %dot_general3A_9, %add3A : vector<1000x512xf32>
    %swap3A = arith.constant 0 : index
    %swap3A_14 = arith.constant 0 : index
    %swap3A_15 = arith.constant 0 : index
    %swap3A_16 = vector.load %arg5[%swap3A, %swap3A_14, %swap3A_15] : memref<1x1000x512xf32, #tpu.memory_space<vmem>>, vector<1x1000x512xf32>
    %swap3A_17 = vector.shape_cast %swap3A_16 : vector<1x1000x512xf32> to vector<1000x512xf32>
    %swap3A_18 = vector.shape_cast %add3A_13 : vector<1000x512xf32> to vector<1x1000x512xf32>
    tpu.vector_store %arg5[%swap3A, %swap3A_14, %swap3A_15], %swap3A_18 {strides = array<i32>} : memref<1x1000x512xf32, #tpu.memory_space<vmem>>, vector<1x1000x512xf32>,
    return
  }
  func.func @transform_0(%arg0: i32, %arg1: i32) -> (i32, i32, i32) {
    %c0_i32 = arith.constant 0 : i32
    %c0_i32_0 = arith.constant 0 : i32
    %c0_i32_1 = arith.constant 0 : i32
    %c0_i32_2 = arith.constant 0 : i32
    return %c0_i32, %c0_i32_0, %c0_i32_1 : i32, i32, i32
  }
  func.func @transform_1(%arg0: i32, %arg1: i32) -> (i32, i32) {
    %c0_i32 = arith.constant 0 : i32
    %c0_i32_0 = arith.constant 0 : i32
    return %arg0, %c0_i32 : i32, i32
  }
  func.func @transform_2(%arg0: i32, %arg1: i32) -> (i32, i32) {
    %c0_i32 = arith.constant 0 : i32
    %c0_i32_0 = arith.constant 0 : i32
    return %arg0, %c0_i32 : i32, i32
  }
  func.func @transform_3(%arg0: i32, %arg1: i32) -> (i32, i32, i32) {
    %c0_i32 = arith.constant 0 : i32
    %c0_i32_0 = arith.constant 0 : i32
    return %arg1, %arg0, %c0_i32 : i32, i32, i32
  }
}

module attributes {stable_mosaic.version = 14 : i64} {
  func.func @_rnn_body(%arg0: i32, %arg1: memref<512x1024xf32, #tpu.memory_space<vmem>>, %arg2: memref<1024x1024xf32, #tpu.memory_space<vmem>>, %arg3: memref<1024x1024xbf16, #tpu.memory_space<vmem>>, %arg4: memref<1x1024xf32, #tpu.memory_space<vmem>>, %arg5: memref<8x64x1024xbf16, #tpu.memory_space<vmem>>, %arg6: memref<8x1024xf32, #tpu.memory_space<vmem>>, %arg7: memref<512x1024xf32, #tpu.memory_space<vmem>>) attributes {dimension_semantics = [#tpu.dimension_semantics<arbitrary>], iteration_bounds = array<i64: 8>, scalar_prefetch = 0 : i64, scratch_operands = 2 : i64, tpu.core_type = #tpu.core_type<tc>, window_params = [{transform_indices = @transform_0, window_bounds = array<i64: 512, 1024>}, {pipeline_mode = #tpu.pipeline_mode<synchronous>, transform_indices = @transform_1, window_bounds = array<i64: 1024, 1024>}, {pipeline_mode = #tpu.pipeline_mode<synchronous>, transform_indices = @transform_2, window_bounds = array<i64: 1024, 1024>}, {pipeline_mode = #tpu.pipeline_mode<synchronous>, transform_indices = @transform_3, window_bounds = array<i64: 1, 1024>}, {transform_indices = @transform_4, window_bounds = array<i64: 8, 64, 1024>}]} {
    %eq3A = arith.constant 0 : i32
    %eq3A_0 = arith.cmpi eq, %arg0, %eq3A : i32
    %convert_element_type3A = arith.extui %eq3A_0 : i1 to i32
    %cond3A = arith.constant 0 : i32
    %cond3A_1 = arith.cmpi ne, %convert_element_type3A, %cond3A : i32
    scf.if %cond3A_1 {
      %broadcast_in_dim3A = arith.constant 0.000000e+00 : f32
      %broadcast_in_dim3A_982 = vector.broadcast %broadcast_in_dim3A : f32 to vector<8x1024xf32>
      %swap3A_983 = arith.constant 0 : index
      %swap3A_984 = arith.constant 0 : index
      %swap3A_985 = vector.load %arg6[%swap3A_983, %swap3A_984] : memref<8x1024xf32, #tpu.memory_space<vmem>>, vector<8x1024xf32>
      tpu.vector_store %arg6[%swap3A_983, %swap3A_984], %broadcast_in_dim3A_982 {strides = array<i32>} : memref<8x1024xf32, #tpu.memory_space<vmem>>, vector<8x1024xf32>,
    } else {
    }
    %get3A = arith.constant 0 : index
    %get3A_2 = arith.constant 0 : index
    %get3A_3 = vector.load %arg1[%get3A, %get3A_2] : memref<512x1024xf32, #tpu.memory_space<vmem>>, vector<512x1024xf32>
    %get3A_4 = arith.constant 0 : index
    %get3A_5 = arith.constant 0 : index
    %get3A_6 = vector.load %arg2[%get3A_4, %get3A_5] : memref<1024x1024xf32, #tpu.memory_space<vmem>>, vector<1024x1024xf32>
    %dot_general3A = arith.constant dense<0.000000e+00> : vector<512x1024xf32>
    %dot_general3A_7 = tpu.matmul %get3A_3, %get3A_6, %dot_general3A {dimension_numbers = #tpu.dot_dimension_numbers<[1], [1], [0], [0], [0, 0, 1, 0], [], []>, transpose_lhs_hint = false} : vector<512x1024xf32>, vector<1024x1024xf32>, vector<512x1024xf32> -> vector<512x1024xf32>
    %get3A_8 = arith.constant 0 : index
    %get3A_9 = arith.constant 0 : index
    %get3A_10 = vector.load %arg4[%get3A_8, %get3A_9] : memref<1x1024xf32, #tpu.memory_space<vmem>>, vector<1x1024xf32>
    %add3A = vector.broadcast %get3A_10 : vector<1x1024xf32> to vector<512x1024xf32>
    %add3A_11 = arith.addf %dot_general3A_7, %add3A : vector<512x1024xf32>
    %swap3A = arith.constant 0 : index
    %swap3A_12 = arith.constant 0 : index
    %swap3A_13 = vector.load %arg7[%swap3A, %swap3A_12] : memref<512x1024xf32, #tpu.memory_space<vmem>>, vector<512x1024xf32>
    tpu.vector_store %arg7[%swap3A, %swap3A_12], %add3A_11 {strides = array<i32>} : memref<512x1024xf32, #tpu.memory_space<vmem>>, vector<512x1024xf32>,
    %get3A_14 = arith.constant 0 : index
    %get3A_15 = arith.constant 0 : index
    %get3A_16 = vector.load %arg3[%get3A_14, %get3A_15] : memref<1024x1024xbf16, #tpu.memory_space<vmem>>, vector<1024x1024xbf16>
    %get3A_17 = arith.constant 0 : index
    %get3A_18 = arith.constant 0 : index
    %get3A_19 = vector.load %arg6[%get3A_17, %get3A_18] : memref<8x1024xf32, #tpu.memory_space<vmem>>, vector<8x1024xf32>
    %convert_element_type3A_20 = arith.truncf %get3A_19 : vector<8x1024xf32> to vector<8x1024xbf16>
    %dot_general3A_21 = arith.constant dense<0.000000e+00> : vector<8x1024xf32>
    %dot_general3A_22 = tpu.matmul %convert_element_type3A_20, %get3A_16, %dot_general3A_21 {dimension_numbers = #tpu.dot_dimension_numbers<[1], [0], [0], [1], [0, 0, 1, 1], [], []>, transpose_lhs_hint = false} : vector<8x1024xbf16>, vector<1024x1024xbf16>, vector<8x1024xf32> -> vector<8x1024xf32>
    %get3A_23 = arith.constant 0 : index
    %get3A_24 = arith.constant 0 : index
    %get3A_25 = vector.load %arg7[%get3A_23, %get3A_24] : memref<512x1024xf32, #tpu.memory_space<vmem>>, vector<8x1024xf32>
    %add3A_26 = arith.addf %get3A_25, %dot_general3A_22 : vector<8x1024xf32>
    %tanh3A = math.tanh %add3A_26 : vector<8x1024xf32>
    %convert_element_type3A_27 = arith.truncf %tanh3A : vector<8x1024xf32> to vector<8x1024xbf16>
    %swap3A_28 = arith.constant 0 : index
    %swap3A_29 = arith.constant 0 : index
    %swap3A_30 = arith.constant 0 : index
    %swap3A_31 = vector.load %arg5[%swap3A_28, %swap3A_29, %swap3A_30] : memref<8x64x1024xbf16, #tpu.memory_space<vmem>>, vector<8x1x1024xbf16>
    %swap3A_32 = vector.shape_cast %swap3A_31 : vector<8x1x1024xbf16> to vector<8x1024xbf16>
    %swap3A_33 = vector.shape_cast %convert_element_type3A_27 : vector<8x1024xbf16> to vector<8x1x1024xbf16>
    tpu.vector_store %arg5[%swap3A_28, %swap3A_29, %swap3A_30], %swap3A_33 {strides = array<i32>} : memref<8x64x1024xbf16, #tpu.memory_space<vmem>>, vector<8x1x1024xbf16>,
    %convert_element_type3A_34 = arith.truncf %tanh3A : vector<8x1024xf32> to vector<8x1024xbf16>
    %dot_general3A_35 = arith.constant dense<0.000000e+00> : vector<8x1024xf32>
    %dot_general3A_36 = tpu.matmul %convert_element_type3A_34, %get3A_16, %dot_general3A_35 {dimension_numbers = #tpu.dot_dimension_numbers<[1], [0], [0], [1], [0, 0, 1, 1], [], []>, transpose_lhs_hint = false} : vector<8x1024xbf16>, vector<1024x1024xbf16>, vector<8x1024xf32> -> vector<8x1024xf32>
    %get3A_37 = arith.constant 8 : index
    %get3A_38 = arith.constant 0 : index
    %get3A_39 = vector.load %arg7[%get3A_37, %get3A_38] : memref<512x1024xf32, #tpu.memory_space<vmem>>, vector<8x1024xf32>
    %add3A_40 = arith.addf %get3A_39, %dot_general3A_36 : vector<8x1024xf32>
    %tanh3A_41 = math.tanh %add3A_40 : vector<8x1024xf32>
    %convert_element_type3A_42 = arith.truncf %tanh3A_41 : vector<8x1024xf32> to vector<8x1024xbf16>
    %swap3A_43 = arith.constant 0 : index
    %swap3A_44 = arith.constant 1 : index
    %swap3A_45 = arith.constant 0 : index
    %swap3A_46 = vector.load %arg5[%swap3A_43, %swap3A_44, %swap3A_45] : memref<8x64x1024xbf16, #tpu.memory_space<vmem>>, vector<8x1x1024xbf16>
    %swap3A_47 = vector.shape_cast %swap3A_46 : vector<8x1x1024xbf16> to vector<8x1024xbf16>
    %swap3A_48 = vector.shape_cast %convert_element_type3A_42 : vector<8x1024xbf16> to vector<8x1x1024xbf16>
    tpu.vector_store %arg5[%swap3A_43, %swap3A_44, %swap3A_45], %swap3A_48 {strides = array<i32>} : memref<8x64x1024xbf16, #tpu.memory_space<vmem>>, vector<8x1x1024xbf16>,
    %convert_element_type3A_49 = arith.truncf %tanh3A_41 : vector<8x1024xf32> to vector<8x1024xbf16>
    %dot_general3A_50 = arith.constant dense<0.000000e+00> : vector<8x1024xf32>
    %dot_general3A_51 = tpu.matmul %convert_element_type3A_49, %get3A_16, %dot_general3A_50 {dimension_numbers = #tpu.dot_dimension_numbers<[1], [0], [0], [1], [0, 0, 1, 1], [], []>, transpose_lhs_hint = false} : vector<8x1024xbf16>, vector<1024x1024xbf16>, vector<8x1024xf32> -> vector<8x1024xf32>
    %get3A_52 = arith.constant 16 : index
    %get3A_53 = arith.constant 0 : index
    %get3A_54 = vector.load %arg7[%get3A_52, %get3A_53] : memref<512x1024xf32, #tpu.memory_space<vmem>>, vector<8x1024xf32>
    %add3A_55 = arith.addf %get3A_54, %dot_general3A_51 : vector<8x1024xf32>
    %tanh3A_56 = math.tanh %add3A_55 : vector<8x1024xf32>
    %convert_element_type3A_57 = arith.truncf %tanh3A_56 : vector<8x1024xf32> to vector<8x1024xbf16>
    %swap3A_58 = arith.constant 0 : index
    %swap3A_59 = arith.constant 2 : index
    %swap3A_60 = arith.constant 0 : index
    %swap3A_61 = vector.load %arg5[%swap3A_58, %swap3A_59, %swap3A_60] : memref<8x64x1024xbf16, #tpu.memory_space<vmem>>, vector<8x1x1024xbf16>
    %swap3A_62 = vector.shape_cast %swap3A_61 : vector<8x1x1024xbf16> to vector<8x1024xbf16>
    %swap3A_63 = vector.shape_cast %convert_element_type3A_57 : vector<8x1024xbf16> to vector<8x1x1024xbf16>
    tpu.vector_store %arg5[%swap3A_58, %swap3A_59, %swap3A_60], %swap3A_63 {strides = array<i32>} : memref<8x64x1024xbf16, #tpu.memory_space<vmem>>, vector<8x1x1024xbf16>,
    %convert_element_type3A_64 = arith.truncf %tanh3A_56 : vector<8x1024xf32> to vector<8x1024xbf16>
    %dot_general3A_65 = arith.constant dense<0.000000e+00> : vector<8x1024xf32>
    %dot_general3A_66 = tpu.matmul %convert_element_type3A_64, %get3A_16, %dot_general3A_65 {dimension_numbers = #tpu.dot_dimension_numbers<[1], [0], [0], [1], [0, 0, 1, 1], [], []>, transpose_lhs_hint = false} : vector<8x1024xbf16>, vector<1024x1024xbf16>, vector<8x1024xf32> -> vector<8x1024xf32>
    %get3A_67 = arith.constant 24 : index
    %get3A_68 = arith.constant 0 : index
    %get3A_69 = vector.load %arg7[%get3A_67, %get3A_68] : memref<512x1024xf32, #tpu.memory_space<vmem>>, vector<8x1024xf32>
    %add3A_70 = arith.addf %get3A_69, %dot_general3A_66 : vector<8x1024xf32>
    %tanh3A_71 = math.tanh %add3A_70 : vector<8x1024xf32>
    %convert_element_type3A_72 = arith.truncf %tanh3A_71 : vector<8x1024xf32> to vector<8x1024xbf16>
    %swap3A_73 = arith.constant 0 : index
    %swap3A_74 = arith.constant 3 : index
    %swap3A_75 = arith.constant 0 : index
    %swap3A_76 = vector.load %arg5[%swap3A_73, %swap3A_74, %swap3A_75] : memref<8x64x1024xbf16, #tpu.memory_space<vmem>>, vector<8x1x1024xbf16>
    %swap3A_77 = vector.shape_cast %swap3A_76 : vector<8x1x1024xbf16> to vector<8x1024xbf16>
    %swap3A_78 = vector.shape_cast %convert_element_type3A_72 : vector<8x1024xbf16> to vector<8x1x1024xbf16>
    tpu.vector_store %arg5[%swap3A_73, %swap3A_74, %swap3A_75], %swap3A_78 {strides = array<i32>} : memref<8x64x1024xbf16, #tpu.memory_space<vmem>>, vector<8x1x1024xbf16>,
    %convert_element_type3A_79 = arith.truncf %tanh3A_71 : vector<8x1024xf32> to vector<8x1024xbf16>
    %dot_general3A_80 = arith.constant dense<0.000000e+00> : vector<8x1024xf32>
    %dot_general3A_81 = tpu.matmul %convert_element_type3A_79, %get3A_16, %dot_general3A_80 {dimension_numbers = #tpu.dot_dimension_numbers<[1], [0], [0], [1], [0, 0, 1, 1], [], []>, transpose_lhs_hint = false} : vector<8x1024xbf16>, vector<1024x1024xbf16>, vector<8x1024xf32> -> vector<8x1024xf32>
    %get3A_82 = arith.constant 32 : index
    %get3A_83 = arith.constant 0 : index
    %get3A_84 = vector.load %arg7[%get3A_82, %get3A_83] : memref<512x1024xf32, #tpu.memory_space<vmem>>, vector<8x1024xf32>
    %add3A_85 = arith.addf %get3A_84, %dot_general3A_81 : vector<8x1024xf32>
    %tanh3A_86 = math.tanh %add3A_85 : vector<8x1024xf32>
    %convert_element_type3A_87 = arith.truncf %tanh3A_86 : vector<8x1024xf32> to vector<8x1024xbf16>
    %swap3A_88 = arith.constant 0 : index
    %swap3A_89 = arith.constant 4 : index
    %swap3A_90 = arith.constant 0 : index
    %swap3A_91 = vector.load %arg5[%swap3A_88, %swap3A_89, %swap3A_90] : memref<8x64x1024xbf16, #tpu.memory_space<vmem>>, vector<8x1x1024xbf16>
    %swap3A_92 = vector.shape_cast %swap3A_91 : vector<8x1x1024xbf16> to vector<8x1024xbf16>
    %swap3A_93 = vector.shape_cast %convert_element_type3A_87 : vector<8x1024xbf16> to vector<8x1x1024xbf16>
    tpu.vector_store %arg5[%swap3A_88, %swap3A_89, %swap3A_90], %swap3A_93 {strides = array<i32>} : memref<8x64x1024xbf16, #tpu.memory_space<vmem>>, vector<8x1x1024xbf16>,
    %convert_element_type3A_94 = arith.truncf %tanh3A_86 : vector<8x1024xf32> to vector<8x1024xbf16>
    %dot_general3A_95 = arith.constant dense<0.000000e+00> : vector<8x1024xf32>
    %dot_general3A_96 = tpu.matmul %convert_element_type3A_94, %get3A_16, %dot_general3A_95 {dimension_numbers = #tpu.dot_dimension_numbers<[1], [0], [0], [1], [0, 0, 1, 1], [], []>, transpose_lhs_hint = false} : vector<8x1024xbf16>, vector<1024x1024xbf16>, vector<8x1024xf32> -> vector<8x1024xf32>
    %get3A_97 = arith.constant 40 : index
    %get3A_98 = arith.constant 0 : index
    %get3A_99 = vector.load %arg7[%get3A_97, %get3A_98] : memref<512x1024xf32, #tpu.memory_space<vmem>>, vector<8x1024xf32>
    %add3A_100 = arith.addf %get3A_99, %dot_general3A_96 : vector<8x1024xf32>
    %tanh3A_101 = math.tanh %add3A_100 : vector<8x1024xf32>
    %convert_element_type3A_102 = arith.truncf %tanh3A_101 : vector<8x1024xf32> to vector<8x1024xbf16>
    %swap3A_103 = arith.constant 0 : index
    %swap3A_104 = arith.constant 5 : index
    %swap3A_105 = arith.constant 0 : index
    %swap3A_106 = vector.load %arg5[%swap3A_103, %swap3A_104, %swap3A_105] : memref<8x64x1024xbf16, #tpu.memory_space<vmem>>, vector<8x1x1024xbf16>
    %swap3A_107 = vector.shape_cast %swap3A_106 : vector<8x1x1024xbf16> to vector<8x1024xbf16>
    %swap3A_108 = vector.shape_cast %convert_element_type3A_102 : vector<8x1024xbf16> to vector<8x1x1024xbf16>
    tpu.vector_store %arg5[%swap3A_103, %swap3A_104, %swap3A_105], %swap3A_108 {strides = array<i32>} : memref<8x64x1024xbf16, #tpu.memory_space<vmem>>, vector<8x1x1024xbf16>,
    %convert_element_type3A_109 = arith.truncf %tanh3A_101 : vector<8x1024xf32> to vector<8x1024xbf16>
    %dot_general3A_110 = arith.constant dense<0.000000e+00> : vector<8x1024xf32>
    %dot_general3A_111 = tpu.matmul %convert_element_type3A_109, %get3A_16, %dot_general3A_110 {dimension_numbers = #tpu.dot_dimension_numbers<[1], [0], [0], [1], [0, 0, 1, 1], [], []>, transpose_lhs_hint = false} : vector<8x1024xbf16>, vector<1024x1024xbf16>, vector<8x1024xf32> -> vector<8x1024xf32>
    %get3A_112 = arith.constant 48 : index
    %get3A_113 = arith.constant 0 : index
    %get3A_114 = vector.load %arg7[%get3A_112, %get3A_113] : memref<512x1024xf32, #tpu.memory_space<vmem>>, vector<8x1024xf32>
    %add3A_115 = arith.addf %get3A_114, %dot_general3A_111 : vector<8x1024xf32>
    %tanh3A_116 = math.tanh %add3A_115 : vector<8x1024xf32>
    %convert_element_type3A_117 = arith.truncf %tanh3A_116 : vector<8x1024xf32> to vector<8x1024xbf16>
    %swap3A_118 = arith.constant 0 : index
    %swap3A_119 = arith.constant 6 : index
    %swap3A_120 = arith.constant 0 : index
    %swap3A_121 = vector.load %arg5[%swap3A_118, %swap3A_119, %swap3A_120] : memref<8x64x1024xbf16, #tpu.memory_space<vmem>>, vector<8x1x1024xbf16>
    %swap3A_122 = vector.shape_cast %swap3A_121 : vector<8x1x1024xbf16> to vector<8x1024xbf16>
    %swap3A_123 = vector.shape_cast %convert_element_type3A_117 : vector<8x1024xbf16> to vector<8x1x1024xbf16>
    tpu.vector_store %arg5[%swap3A_118, %swap3A_119, %swap3A_120], %swap3A_123 {strides = array<i32>} : memref<8x64x1024xbf16, #tpu.memory_space<vmem>>, vector<8x1x1024xbf16>,
    %convert_element_type3A_124 = arith.truncf %tanh3A_116 : vector<8x1024xf32> to vector<8x1024xbf16>
    %dot_general3A_125 = arith.constant dense<0.000000e+00> : vector<8x1024xf32>
    %dot_general3A_126 = tpu.matmul %convert_element_type3A_124, %get3A_16, %dot_general3A_125 {dimension_numbers = #tpu.dot_dimension_numbers<[1], [0], [0], [1], [0, 0, 1, 1], [], []>, transpose_lhs_hint = false} : vector<8x1024xbf16>, vector<1024x1024xbf16>, vector<8x1024xf32> -> vector<8x1024xf32>
    %get3A_127 = arith.constant 56 : index
    %get3A_128 = arith.constant 0 : index
    %get3A_129 = vector.load %arg7[%get3A_127, %get3A_128] : memref<512x1024xf32, #tpu.memory_space<vmem>>, vector<8x1024xf32>
    %add3A_130 = arith.addf %get3A_129, %dot_general3A_126 : vector<8x1024xf32>
    %tanh3A_131 = math.tanh %add3A_130 : vector<8x1024xf32>
    %convert_element_type3A_132 = arith.truncf %tanh3A_131 : vector<8x1024xf32> to vector<8x1024xbf16>
    %swap3A_133 = arith.constant 0 : index
    %swap3A_134 = arith.constant 7 : index
    %swap3A_135 = arith.constant 0 : index
    %swap3A_136 = vector.load %arg5[%swap3A_133, %swap3A_134, %swap3A_135] : memref<8x64x1024xbf16, #tpu.memory_space<vmem>>, vector<8x1x1024xbf16>
    %swap3A_137 = vector.shape_cast %swap3A_136 : vector<8x1x1024xbf16> to vector<8x1024xbf16>
    %swap3A_138 = vector.shape_cast %convert_element_type3A_132 : vector<8x1024xbf16> to vector<8x1x1024xbf16>
    tpu.vector_store %arg5[%swap3A_133, %swap3A_134, %swap3A_135], %swap3A_138 {strides = array<i32>} : memref<8x64x1024xbf16, #tpu.memory_space<vmem>>, vector<8x1x1024xbf16>,
    %convert_element_type3A_139 = arith.truncf %tanh3A_131 : vector<8x1024xf32> to vector<8x1024xbf16>
    %dot_general3A_140 = arith.constant dense<0.000000e+00> : vector<8x1024xf32>
    %dot_general3A_141 = tpu.matmul %convert_element_type3A_139, %get3A_16, %dot_general3A_140 {dimension_numbers = #tpu.dot_dimension_numbers<[1], [0], [0], [1], [0, 0, 1, 1], [], []>, transpose_lhs_hint = false} : vector<8x1024xbf16>, vector<1024x1024xbf16>, vector<8x1024xf32> -> vector<8x1024xf32>
    %get3A_142 = arith.constant 64 : index
    %get3A_143 = arith.constant 0 : index
    %get3A_144 = vector.load %arg7[%get3A_142, %get3A_143] : memref<512x1024xf32, #tpu.memory_space<vmem>>, vector<8x1024xf32>
    %add3A_145 = arith.addf %get3A_144, %dot_general3A_141 : vector<8x1024xf32>
    %tanh3A_146 = math.tanh %add3A_145 : vector<8x1024xf32>
    %convert_element_type3A_147 = arith.truncf %tanh3A_146 : vector<8x1024xf32> to vector<8x1024xbf16>
    %swap3A_148 = arith.constant 0 : index
    %swap3A_149 = arith.constant 8 : index
    %swap3A_150 = arith.constant 0 : index
    %swap3A_151 = vector.load %arg5[%swap3A_148, %swap3A_149, %swap3A_150] : memref<8x64x1024xbf16, #tpu.memory_space<vmem>>, vector<8x1x1024xbf16>
    %swap3A_152 = vector.shape_cast %swap3A_151 : vector<8x1x1024xbf16> to vector<8x1024xbf16>
    %swap3A_153 = vector.shape_cast %convert_element_type3A_147 : vector<8x1024xbf16> to vector<8x1x1024xbf16>
    tpu.vector_store %arg5[%swap3A_148, %swap3A_149, %swap3A_150], %swap3A_153 {strides = array<i32>} : memref<8x64x1024xbf16, #tpu.memory_space<vmem>>, vector<8x1x1024xbf16>,
    %convert_element_type3A_154 = arith.truncf %tanh3A_146 : vector<8x1024xf32> to vector<8x1024xbf16>
    %dot_general3A_155 = arith.constant dense<0.000000e+00> : vector<8x1024xf32>
    %dot_general3A_156 = tpu.matmul %convert_element_type3A_154, %get3A_16, %dot_general3A_155 {dimension_numbers = #tpu.dot_dimension_numbers<[1], [0], [0], [1], [0, 0, 1, 1], [], []>, transpose_lhs_hint = false} : vector<8x1024xbf16>, vector<1024x1024xbf16>, vector<8x1024xf32> -> vector<8x1024xf32>
    %get3A_157 = arith.constant 72 : index
    %get3A_158 = arith.constant 0 : index
    %get3A_159 = vector.load %arg7[%get3A_157, %get3A_158] : memref<512x1024xf32, #tpu.memory_space<vmem>>, vector<8x1024xf32>
    %add3A_160 = arith.addf %get3A_159, %dot_general3A_156 : vector<8x1024xf32>
    %tanh3A_161 = math.tanh %add3A_160 : vector<8x1024xf32>
    %convert_element_type3A_162 = arith.truncf %tanh3A_161 : vector<8x1024xf32> to vector<8x1024xbf16>
    %swap3A_163 = arith.constant 0 : index
    %swap3A_164 = arith.constant 9 : index
    %swap3A_165 = arith.constant 0 : index
    %swap3A_166 = vector.load %arg5[%swap3A_163, %swap3A_164, %swap3A_165] : memref<8x64x1024xbf16, #tpu.memory_space<vmem>>, vector<8x1x1024xbf16>
    %swap3A_167 = vector.shape_cast %swap3A_166 : vector<8x1x1024xbf16> to vector<8x1024xbf16>
    %swap3A_168 = vector.shape_cast %convert_element_type3A_162 : vector<8x1024xbf16> to vector<8x1x1024xbf16>
    tpu.vector_store %arg5[%swap3A_163, %swap3A_164, %swap3A_165], %swap3A_168 {strides = array<i32>} : memref<8x64x1024xbf16, #tpu.memory_space<vmem>>, vector<8x1x1024xbf16>,
    %convert_element_type3A_169 = arith.truncf %tanh3A_161 : vector<8x1024xf32> to vector<8x1024xbf16>
    %dot_general3A_170 = arith.constant dense<0.000000e+00> : vector<8x1024xf32>
    %dot_general3A_171 = tpu.matmul %convert_element_type3A_169, %get3A_16, %dot_general3A_170 {dimension_numbers = #tpu.dot_dimension_numbers<[1], [0], [0], [1], [0, 0, 1, 1], [], []>, transpose_lhs_hint = false} : vector<8x1024xbf16>, vector<1024x1024xbf16>, vector<8x1024xf32> -> vector<8x1024xf32>
    %get3A_172 = arith.constant 80 : index
    %get3A_173 = arith.constant 0 : index
    %get3A_174 = vector.load %arg7[%get3A_172, %get3A_173] : memref<512x1024xf32, #tpu.memory_space<vmem>>, vector<8x1024xf32>
    %add3A_175 = arith.addf %get3A_174, %dot_general3A_171 : vector<8x1024xf32>
    %tanh3A_176 = math.tanh %add3A_175 : vector<8x1024xf32>
    %convert_element_type3A_177 = arith.truncf %tanh3A_176 : vector<8x1024xf32> to vector<8x1024xbf16>
    %swap3A_178 = arith.constant 0 : index
    %swap3A_179 = arith.constant 10 : index
    %swap3A_180 = arith.constant 0 : index
    %swap3A_181 = vector.load %arg5[%swap3A_178, %swap3A_179, %swap3A_180] : memref<8x64x1024xbf16, #tpu.memory_space<vmem>>, vector<8x1x1024xbf16>
    %swap3A_182 = vector.shape_cast %swap3A_181 : vector<8x1x1024xbf16> to vector<8x1024xbf16>
    %swap3A_183 = vector.shape_cast %convert_element_type3A_177 : vector<8x1024xbf16> to vector<8x1x1024xbf16>
    tpu.vector_store %arg5[%swap3A_178, %swap3A_179, %swap3A_180], %swap3A_183 {strides = array<i32>} : memref<8x64x1024xbf16, #tpu.memory_space<vmem>>, vector<8x1x1024xbf16>,
    %convert_element_type3A_184 = arith.truncf %tanh3A_176 : vector<8x1024xf32> to vector<8x1024xbf16>
    %dot_general3A_185 = arith.constant dense<0.000000e+00> : vector<8x1024xf32>
    %dot_general3A_186 = tpu.matmul %convert_element_type3A_184, %get3A_16, %dot_general3A_185 {dimension_numbers = #tpu.dot_dimension_numbers<[1], [0], [0], [1], [0, 0, 1, 1], [], []>, transpose_lhs_hint = false} : vector<8x1024xbf16>, vector<1024x1024xbf16>, vector<8x1024xf32> -> vector<8x1024xf32>
    %get3A_187 = arith.constant 88 : index
    %get3A_188 = arith.constant 0 : index
    %get3A_189 = vector.load %arg7[%get3A_187, %get3A_188] : memref<512x1024xf32, #tpu.memory_space<vmem>>, vector<8x1024xf32>
    %add3A_190 = arith.addf %get3A_189, %dot_general3A_186 : vector<8x1024xf32>
    %tanh3A_191 = math.tanh %add3A_190 : vector<8x1024xf32>
    %convert_element_type3A_192 = arith.truncf %tanh3A_191 : vector<8x1024xf32> to vector<8x1024xbf16>
    %swap3A_193 = arith.constant 0 : index
    %swap3A_194 = arith.constant 11 : index
    %swap3A_195 = arith.constant 0 : index
    %swap3A_196 = vector.load %arg5[%swap3A_193, %swap3A_194, %swap3A_195] : memref<8x64x1024xbf16, #tpu.memory_space<vmem>>, vector<8x1x1024xbf16>
    %swap3A_197 = vector.shape_cast %swap3A_196 : vector<8x1x1024xbf16> to vector<8x1024xbf16>
    %swap3A_198 = vector.shape_cast %convert_element_type3A_192 : vector<8x1024xbf16> to vector<8x1x1024xbf16>
    tpu.vector_store %arg5[%swap3A_193, %swap3A_194, %swap3A_195], %swap3A_198 {strides = array<i32>} : memref<8x64x1024xbf16, #tpu.memory_space<vmem>>, vector<8x1x1024xbf16>,
    %convert_element_type3A_199 = arith.truncf %tanh3A_191 : vector<8x1024xf32> to vector<8x1024xbf16>
    %dot_general3A_200 = arith.constant dense<0.000000e+00> : vector<8x1024xf32>
    %dot_general3A_201 = tpu.matmul %convert_element_type3A_199, %get3A_16, %dot_general3A_200 {dimension_numbers = #tpu.dot_dimension_numbers<[1], [0], [0], [1], [0, 0, 1, 1], [], []>, transpose_lhs_hint = false} : vector<8x1024xbf16>, vector<1024x1024xbf16>, vector<8x1024xf32> -> vector<8x1024xf32>
    %get3A_202 = arith.constant 96 : index
    %get3A_203 = arith.constant 0 : index
    %get3A_204 = vector.load %arg7[%get3A_202, %get3A_203] : memref<512x1024xf32, #tpu.memory_space<vmem>>, vector<8x1024xf32>
    %add3A_205 = arith.addf %get3A_204, %dot_general3A_201 : vector<8x1024xf32>
    %tanh3A_206 = math.tanh %add3A_205 : vector<8x1024xf32>
    %convert_element_type3A_207 = arith.truncf %tanh3A_206 : vector<8x1024xf32> to vector<8x1024xbf16>
    %swap3A_208 = arith.constant 0 : index
    %swap3A_209 = arith.constant 12 : index
    %swap3A_210 = arith.constant 0 : index
    %swap3A_211 = vector.load %arg5[%swap3A_208, %swap3A_209, %swap3A_210] : memref<8x64x1024xbf16, #tpu.memory_space<vmem>>, vector<8x1x1024xbf16>
    %swap3A_212 = vector.shape_cast %swap3A_211 : vector<8x1x1024xbf16> to vector<8x1024xbf16>
    %swap3A_213 = vector.shape_cast %convert_element_type3A_207 : vector<8x1024xbf16> to vector<8x1x1024xbf16>
    tpu.vector_store %arg5[%swap3A_208, %swap3A_209, %swap3A_210], %swap3A_213 {strides = array<i32>} : memref<8x64x1024xbf16, #tpu.memory_space<vmem>>, vector<8x1x1024xbf16>,
    %convert_element_type3A_214 = arith.truncf %tanh3A_206 : vector<8x1024xf32> to vector<8x1024xbf16>
    %dot_general3A_215 = arith.constant dense<0.000000e+00> : vector<8x1024xf32>
    %dot_general3A_216 = tpu.matmul %convert_element_type3A_214, %get3A_16, %dot_general3A_215 {dimension_numbers = #tpu.dot_dimension_numbers<[1], [0], [0], [1], [0, 0, 1, 1], [], []>, transpose_lhs_hint = false} : vector<8x1024xbf16>, vector<1024x1024xbf16>, vector<8x1024xf32> -> vector<8x1024xf32>
    %get3A_217 = arith.constant 104 : index
    %get3A_218 = arith.constant 0 : index
    %get3A_219 = vector.load %arg7[%get3A_217, %get3A_218] : memref<512x1024xf32, #tpu.memory_space<vmem>>, vector<8x1024xf32>
    %add3A_220 = arith.addf %get3A_219, %dot_general3A_216 : vector<8x1024xf32>
    %tanh3A_221 = math.tanh %add3A_220 : vector<8x1024xf32>
    %convert_element_type3A_222 = arith.truncf %tanh3A_221 : vector<8x1024xf32> to vector<8x1024xbf16>
    %swap3A_223 = arith.constant 0 : index
    %swap3A_224 = arith.constant 13 : index
    %swap3A_225 = arith.constant 0 : index
    %swap3A_226 = vector.load %arg5[%swap3A_223, %swap3A_224, %swap3A_225] : memref<8x64x1024xbf16, #tpu.memory_space<vmem>>, vector<8x1x1024xbf16>
    %swap3A_227 = vector.shape_cast %swap3A_226 : vector<8x1x1024xbf16> to vector<8x1024xbf16>
    %swap3A_228 = vector.shape_cast %convert_element_type3A_222 : vector<8x1024xbf16> to vector<8x1x1024xbf16>
    tpu.vector_store %arg5[%swap3A_223, %swap3A_224, %swap3A_225], %swap3A_228 {strides = array<i32>} : memref<8x64x1024xbf16, #tpu.memory_space<vmem>>, vector<8x1x1024xbf16>,
    %convert_element_type3A_229 = arith.truncf %tanh3A_221 : vector<8x1024xf32> to vector<8x1024xbf16>
    %dot_general3A_230 = arith.constant dense<0.000000e+00> : vector<8x1024xf32>
    %dot_general3A_231 = tpu.matmul %convert_element_type3A_229, %get3A_16, %dot_general3A_230 {dimension_numbers = #tpu.dot_dimension_numbers<[1], [0], [0], [1], [0, 0, 1, 1], [], []>, transpose_lhs_hint = false} : vector<8x1024xbf16>, vector<1024x1024xbf16>, vector<8x1024xf32> -> vector<8x1024xf32>
    %get3A_232 = arith.constant 112 : index
    %get3A_233 = arith.constant 0 : index
    %get3A_234 = vector.load %arg7[%get3A_232, %get3A_233] : memref<512x1024xf32, #tpu.memory_space<vmem>>, vector<8x1024xf32>
    %add3A_235 = arith.addf %get3A_234, %dot_general3A_231 : vector<8x1024xf32>
    %tanh3A_236 = math.tanh %add3A_235 : vector<8x1024xf32>
    %convert_element_type3A_237 = arith.truncf %tanh3A_236 : vector<8x1024xf32> to vector<8x1024xbf16>
    %swap3A_238 = arith.constant 0 : index
    %swap3A_239 = arith.constant 14 : index
    %swap3A_240 = arith.constant 0 : index
    %swap3A_241 = vector.load %arg5[%swap3A_238, %swap3A_239, %swap3A_240] : memref<8x64x1024xbf16, #tpu.memory_space<vmem>>, vector<8x1x1024xbf16>
    %swap3A_242 = vector.shape_cast %swap3A_241 : vector<8x1x1024xbf16> to vector<8x1024xbf16>
    %swap3A_243 = vector.shape_cast %convert_element_type3A_237 : vector<8x1024xbf16> to vector<8x1x1024xbf16>
    tpu.vector_store %arg5[%swap3A_238, %swap3A_239, %swap3A_240], %swap3A_243 {strides = array<i32>} : memref<8x64x1024xbf16, #tpu.memory_space<vmem>>, vector<8x1x1024xbf16>,
    %convert_element_type3A_244 = arith.truncf %tanh3A_236 : vector<8x1024xf32> to vector<8x1024xbf16>
    %dot_general3A_245 = arith.constant dense<0.000000e+00> : vector<8x1024xf32>
    %dot_general3A_246 = tpu.matmul %convert_element_type3A_244, %get3A_16, %dot_general3A_245 {dimension_numbers = #tpu.dot_dimension_numbers<[1], [0], [0], [1], [0, 0, 1, 1], [], []>, transpose_lhs_hint = false} : vector<8x1024xbf16>, vector<1024x1024xbf16>, vector<8x1024xf32> -> vector<8x1024xf32>
    %get3A_247 = arith.constant 120 : index
    %get3A_248 = arith.constant 0 : index
    %get3A_249 = vector.load %arg7[%get3A_247, %get3A_248] : memref<512x1024xf32, #tpu.memory_space<vmem>>, vector<8x1024xf32>
    %add3A_250 = arith.addf %get3A_249, %dot_general3A_246 : vector<8x1024xf32>
    %tanh3A_251 = math.tanh %add3A_250 : vector<8x1024xf32>
    %convert_element_type3A_252 = arith.truncf %tanh3A_251 : vector<8x1024xf32> to vector<8x1024xbf16>
    %swap3A_253 = arith.constant 0 : index
    %swap3A_254 = arith.constant 15 : index
    %swap3A_255 = arith.constant 0 : index
    %swap3A_256 = vector.load %arg5[%swap3A_253, %swap3A_254, %swap3A_255] : memref<8x64x1024xbf16, #tpu.memory_space<vmem>>, vector<8x1x1024xbf16>
    %swap3A_257 = vector.shape_cast %swap3A_256 : vector<8x1x1024xbf16> to vector<8x1024xbf16>
    %swap3A_258 = vector.shape_cast %convert_element_type3A_252 : vector<8x1024xbf16> to vector<8x1x1024xbf16>
    tpu.vector_store %arg5[%swap3A_253, %swap3A_254, %swap3A_255], %swap3A_258 {strides = array<i32>} : memref<8x64x1024xbf16, #tpu.memory_space<vmem>>, vector<8x1x1024xbf16>,
    %convert_element_type3A_259 = arith.truncf %tanh3A_251 : vector<8x1024xf32> to vector<8x1024xbf16>
    %dot_general3A_260 = arith.constant dense<0.000000e+00> : vector<8x1024xf32>
    %dot_general3A_261 = tpu.matmul %convert_element_type3A_259, %get3A_16, %dot_general3A_260 {dimension_numbers = #tpu.dot_dimension_numbers<[1], [0], [0], [1], [0, 0, 1, 1], [], []>, transpose_lhs_hint = false} : vector<8x1024xbf16>, vector<1024x1024xbf16>, vector<8x1024xf32> -> vector<8x1024xf32>
    %get3A_262 = arith.constant 128 : index
    %get3A_263 = arith.constant 0 : index
    %get3A_264 = vector.load %arg7[%get3A_262, %get3A_263] : memref<512x1024xf32, #tpu.memory_space<vmem>>, vector<8x1024xf32>
    %add3A_265 = arith.addf %get3A_264, %dot_general3A_261 : vector<8x1024xf32>
    %tanh3A_266 = math.tanh %add3A_265 : vector<8x1024xf32>
    %convert_element_type3A_267 = arith.truncf %tanh3A_266 : vector<8x1024xf32> to vector<8x1024xbf16>
    %swap3A_268 = arith.constant 0 : index
    %swap3A_269 = arith.constant 16 : index
    %swap3A_270 = arith.constant 0 : index
    %swap3A_271 = vector.load %arg5[%swap3A_268, %swap3A_269, %swap3A_270] : memref<8x64x1024xbf16, #tpu.memory_space<vmem>>, vector<8x1x1024xbf16>
    %swap3A_272 = vector.shape_cast %swap3A_271 : vector<8x1x1024xbf16> to vector<8x1024xbf16>
    %swap3A_273 = vector.shape_cast %convert_element_type3A_267 : vector<8x1024xbf16> to vector<8x1x1024xbf16>
    tpu.vector_store %arg5[%swap3A_268, %swap3A_269, %swap3A_270], %swap3A_273 {strides = array<i32>} : memref<8x64x1024xbf16, #tpu.memory_space<vmem>>, vector<8x1x1024xbf16>,
    %convert_element_type3A_274 = arith.truncf %tanh3A_266 : vector<8x1024xf32> to vector<8x1024xbf16>
    %dot_general3A_275 = arith.constant dense<0.000000e+00> : vector<8x1024xf32>
    %dot_general3A_276 = tpu.matmul %convert_element_type3A_274, %get3A_16, %dot_general3A_275 {dimension_numbers = #tpu.dot_dimension_numbers<[1], [0], [0], [1], [0, 0, 1, 1], [], []>, transpose_lhs_hint = false} : vector<8x1024xbf16>, vector<1024x1024xbf16>, vector<8x1024xf32> -> vector<8x1024xf32>
    %get3A_277 = arith.constant 136 : index
    %get3A_278 = arith.constant 0 : index
    %get3A_279 = vector.load %arg7[%get3A_277, %get3A_278] : memref<512x1024xf32, #tpu.memory_space<vmem>>, vector<8x1024xf32>
    %add3A_280 = arith.addf %get3A_279, %dot_general3A_276 : vector<8x1024xf32>
    %tanh3A_281 = math.tanh %add3A_280 : vector<8x1024xf32>
    %convert_element_type3A_282 = arith.truncf %tanh3A_281 : vector<8x1024xf32> to vector<8x1024xbf16>
    %swap3A_283 = arith.constant 0 : index
    %swap3A_284 = arith.constant 17 : index
    %swap3A_285 = arith.constant 0 : index
    %swap3A_286 = vector.load %arg5[%swap3A_283, %swap3A_284, %swap3A_285] : memref<8x64x1024xbf16, #tpu.memory_space<vmem>>, vector<8x1x1024xbf16>
    %swap3A_287 = vector.shape_cast %swap3A_286 : vector<8x1x1024xbf16> to vector<8x1024xbf16>
    %swap3A_288 = vector.shape_cast %convert_element_type3A_282 : vector<8x1024xbf16> to vector<8x1x1024xbf16>
    tpu.vector_store %arg5[%swap3A_283, %swap3A_284, %swap3A_285], %swap3A_288 {strides = array<i32>} : memref<8x64x1024xbf16, #tpu.memory_space<vmem>>, vector<8x1x1024xbf16>,
    %convert_element_type3A_289 = arith.truncf %tanh3A_281 : vector<8x1024xf32> to vector<8x1024xbf16>
    %dot_general3A_290 = arith.constant dense<0.000000e+00> : vector<8x1024xf32>
    %dot_general3A_291 = tpu.matmul %convert_element_type3A_289, %get3A_16, %dot_general3A_290 {dimension_numbers = #tpu.dot_dimension_numbers<[1], [0], [0], [1], [0, 0, 1, 1], [], []>, transpose_lhs_hint = false} : vector<8x1024xbf16>, vector<1024x1024xbf16>, vector<8x1024xf32> -> vector<8x1024xf32>
    %get3A_292 = arith.constant 144 : index
    %get3A_293 = arith.constant 0 : index
    %get3A_294 = vector.load %arg7[%get3A_292, %get3A_293] : memref<512x1024xf32, #tpu.memory_space<vmem>>, vector<8x1024xf32>
    %add3A_295 = arith.addf %get3A_294, %dot_general3A_291 : vector<8x1024xf32>
    %tanh3A_296 = math.tanh %add3A_295 : vector<8x1024xf32>
    %convert_element_type3A_297 = arith.truncf %tanh3A_296 : vector<8x1024xf32> to vector<8x1024xbf16>
    %swap3A_298 = arith.constant 0 : index
    %swap3A_299 = arith.constant 18 : index
    %swap3A_300 = arith.constant 0 : index
    %swap3A_301 = vector.load %arg5[%swap3A_298, %swap3A_299, %swap3A_300] : memref<8x64x1024xbf16, #tpu.memory_space<vmem>>, vector<8x1x1024xbf16>
    %swap3A_302 = vector.shape_cast %swap3A_301 : vector<8x1x1024xbf16> to vector<8x1024xbf16>
    %swap3A_303 = vector.shape_cast %convert_element_type3A_297 : vector<8x1024xbf16> to vector<8x1x1024xbf16>
    tpu.vector_store %arg5[%swap3A_298, %swap3A_299, %swap3A_300], %swap3A_303 {strides = array<i32>} : memref<8x64x1024xbf16, #tpu.memory_space<vmem>>, vector<8x1x1024xbf16>,
    %convert_element_type3A_304 = arith.truncf %tanh3A_296 : vector<8x1024xf32> to vector<8x1024xbf16>
    %dot_general3A_305 = arith.constant dense<0.000000e+00> : vector<8x1024xf32>
    %dot_general3A_306 = tpu.matmul %convert_element_type3A_304, %get3A_16, %dot_general3A_305 {dimension_numbers = #tpu.dot_dimension_numbers<[1], [0], [0], [1], [0, 0, 1, 1], [], []>, transpose_lhs_hint = false} : vector<8x1024xbf16>, vector<1024x1024xbf16>, vector<8x1024xf32> -> vector<8x1024xf32>
    %get3A_307 = arith.constant 152 : index
    %get3A_308 = arith.constant 0 : index
    %get3A_309 = vector.load %arg7[%get3A_307, %get3A_308] : memref<512x1024xf32, #tpu.memory_space<vmem>>, vector<8x1024xf32>
    %add3A_310 = arith.addf %get3A_309, %dot_general3A_306 : vector<8x1024xf32>
    %tanh3A_311 = math.tanh %add3A_310 : vector<8x1024xf32>
    %convert_element_type3A_312 = arith.truncf %tanh3A_311 : vector<8x1024xf32> to vector<8x1024xbf16>
    %swap3A_313 = arith.constant 0 : index
    %swap3A_314 = arith.constant 19 : index
    %swap3A_315 = arith.constant 0 : index
    %swap3A_316 = vector.load %arg5[%swap3A_313, %swap3A_314, %swap3A_315] : memref<8x64x1024xbf16, #tpu.memory_space<vmem>>, vector<8x1x1024xbf16>
    %swap3A_317 = vector.shape_cast %swap3A_316 : vector<8x1x1024xbf16> to vector<8x1024xbf16>
    %swap3A_318 = vector.shape_cast %convert_element_type3A_312 : vector<8x1024xbf16> to vector<8x1x1024xbf16>
    tpu.vector_store %arg5[%swap3A_313, %swap3A_314, %swap3A_315], %swap3A_318 {strides = array<i32>} : memref<8x64x1024xbf16, #tpu.memory_space<vmem>>, vector<8x1x1024xbf16>,
    %convert_element_type3A_319 = arith.truncf %tanh3A_311 : vector<8x1024xf32> to vector<8x1024xbf16>
    %dot_general3A_320 = arith.constant dense<0.000000e+00> : vector<8x1024xf32>
    %dot_general3A_321 = tpu.matmul %convert_element_type3A_319, %get3A_16, %dot_general3A_320 {dimension_numbers = #tpu.dot_dimension_numbers<[1], [0], [0], [1], [0, 0, 1, 1], [], []>, transpose_lhs_hint = false} : vector<8x1024xbf16>, vector<1024x1024xbf16>, vector<8x1024xf32> -> vector<8x1024xf32>
    %get3A_322 = arith.constant 160 : index
    %get3A_323 = arith.constant 0 : index
    %get3A_324 = vector.load %arg7[%get3A_322, %get3A_323] : memref<512x1024xf32, #tpu.memory_space<vmem>>, vector<8x1024xf32>
    %add3A_325 = arith.addf %get3A_324, %dot_general3A_321 : vector<8x1024xf32>
    %tanh3A_326 = math.tanh %add3A_325 : vector<8x1024xf32>
    %convert_element_type3A_327 = arith.truncf %tanh3A_326 : vector<8x1024xf32> to vector<8x1024xbf16>
    %swap3A_328 = arith.constant 0 : index
    %swap3A_329 = arith.constant 20 : index
    %swap3A_330 = arith.constant 0 : index
    %swap3A_331 = vector.load %arg5[%swap3A_328, %swap3A_329, %swap3A_330] : memref<8x64x1024xbf16, #tpu.memory_space<vmem>>, vector<8x1x1024xbf16>
    %swap3A_332 = vector.shape_cast %swap3A_331 : vector<8x1x1024xbf16> to vector<8x1024xbf16>
    %swap3A_333 = vector.shape_cast %convert_element_type3A_327 : vector<8x1024xbf16> to vector<8x1x1024xbf16>
    tpu.vector_store %arg5[%swap3A_328, %swap3A_329, %swap3A_330], %swap3A_333 {strides = array<i32>} : memref<8x64x1024xbf16, #tpu.memory_space<vmem>>, vector<8x1x1024xbf16>,
    %convert_element_type3A_334 = arith.truncf %tanh3A_326 : vector<8x1024xf32> to vector<8x1024xbf16>
    %dot_general3A_335 = arith.constant dense<0.000000e+00> : vector<8x1024xf32>
    %dot_general3A_336 = tpu.matmul %convert_element_type3A_334, %get3A_16, %dot_general3A_335 {dimension_numbers = #tpu.dot_dimension_numbers<[1], [0], [0], [1], [0, 0, 1, 1], [], []>, transpose_lhs_hint = false} : vector<8x1024xbf16>, vector<1024x1024xbf16>, vector<8x1024xf32> -> vector<8x1024xf32>
    %get3A_337 = arith.constant 168 : index
    %get3A_338 = arith.constant 0 : index
    %get3A_339 = vector.load %arg7[%get3A_337, %get3A_338] : memref<512x1024xf32, #tpu.memory_space<vmem>>, vector<8x1024xf32>
    %add3A_340 = arith.addf %get3A_339, %dot_general3A_336 : vector<8x1024xf32>
    %tanh3A_341 = math.tanh %add3A_340 : vector<8x1024xf32>
    %convert_element_type3A_342 = arith.truncf %tanh3A_341 : vector<8x1024xf32> to vector<8x1024xbf16>
    %swap3A_343 = arith.constant 0 : index
    %swap3A_344 = arith.constant 21 : index
    %swap3A_345 = arith.constant 0 : index
    %swap3A_346 = vector.load %arg5[%swap3A_343, %swap3A_344, %swap3A_345] : memref<8x64x1024xbf16, #tpu.memory_space<vmem>>, vector<8x1x1024xbf16>
    %swap3A_347 = vector.shape_cast %swap3A_346 : vector<8x1x1024xbf16> to vector<8x1024xbf16>
    %swap3A_348 = vector.shape_cast %convert_element_type3A_342 : vector<8x1024xbf16> to vector<8x1x1024xbf16>
    tpu.vector_store %arg5[%swap3A_343, %swap3A_344, %swap3A_345], %swap3A_348 {strides = array<i32>} : memref<8x64x1024xbf16, #tpu.memory_space<vmem>>, vector<8x1x1024xbf16>,
    %convert_element_type3A_349 = arith.truncf %tanh3A_341 : vector<8x1024xf32> to vector<8x1024xbf16>
    %dot_general3A_350 = arith.constant dense<0.000000e+00> : vector<8x1024xf32>
    %dot_general3A_351 = tpu.matmul %convert_element_type3A_349, %get3A_16, %dot_general3A_350 {dimension_numbers = #tpu.dot_dimension_numbers<[1], [0], [0], [1], [0, 0, 1, 1], [], []>, transpose_lhs_hint = false} : vector<8x1024xbf16>, vector<1024x1024xbf16>, vector<8x1024xf32> -> vector<8x1024xf32>
    %get3A_352 = arith.constant 176 : index
    %get3A_353 = arith.constant 0 : index
    %get3A_354 = vector.load %arg7[%get3A_352, %get3A_353] : memref<512x1024xf32, #tpu.memory_space<vmem>>, vector<8x1024xf32>
    %add3A_355 = arith.addf %get3A_354, %dot_general3A_351 : vector<8x1024xf32>
    %tanh3A_356 = math.tanh %add3A_355 : vector<8x1024xf32>
    %convert_element_type3A_357 = arith.truncf %tanh3A_356 : vector<8x1024xf32> to vector<8x1024xbf16>
    %swap3A_358 = arith.constant 0 : index
    %swap3A_359 = arith.constant 22 : index
    %swap3A_360 = arith.constant 0 : index
    %swap3A_361 = vector.load %arg5[%swap3A_358, %swap3A_359, %swap3A_360] : memref<8x64x1024xbf16, #tpu.memory_space<vmem>>, vector<8x1x1024xbf16>
    %swap3A_362 = vector.shape_cast %swap3A_361 : vector<8x1x1024xbf16> to vector<8x1024xbf16>
    %swap3A_363 = vector.shape_cast %convert_element_type3A_357 : vector<8x1024xbf16> to vector<8x1x1024xbf16>
    tpu.vector_store %arg5[%swap3A_358, %swap3A_359, %swap3A_360], %swap3A_363 {strides = array<i32>} : memref<8x64x1024xbf16, #tpu.memory_space<vmem>>, vector<8x1x1024xbf16>,
    %convert_element_type3A_364 = arith.truncf %tanh3A_356 : vector<8x1024xf32> to vector<8x1024xbf16>
    %dot_general3A_365 = arith.constant dense<0.000000e+00> : vector<8x1024xf32>
    %dot_general3A_366 = tpu.matmul %convert_element_type3A_364, %get3A_16, %dot_general3A_365 {dimension_numbers = #tpu.dot_dimension_numbers<[1], [0], [0], [1], [0, 0, 1, 1], [], []>, transpose_lhs_hint = false} : vector<8x1024xbf16>, vector<1024x1024xbf16>, vector<8x1024xf32> -> vector<8x1024xf32>
    %get3A_367 = arith.constant 184 : index
    %get3A_368 = arith.constant 0 : index
    %get3A_369 = vector.load %arg7[%get3A_367, %get3A_368] : memref<512x1024xf32, #tpu.memory_space<vmem>>, vector<8x1024xf32>
    %add3A_370 = arith.addf %get3A_369, %dot_general3A_366 : vector<8x1024xf32>
    %tanh3A_371 = math.tanh %add3A_370 : vector<8x1024xf32>
    %convert_element_type3A_372 = arith.truncf %tanh3A_371 : vector<8x1024xf32> to vector<8x1024xbf16>
    %swap3A_373 = arith.constant 0 : index
    %swap3A_374 = arith.constant 23 : index
    %swap3A_375 = arith.constant 0 : index
    %swap3A_376 = vector.load %arg5[%swap3A_373, %swap3A_374, %swap3A_375] : memref<8x64x1024xbf16, #tpu.memory_space<vmem>>, vector<8x1x1024xbf16>
    %swap3A_377 = vector.shape_cast %swap3A_376 : vector<8x1x1024xbf16> to vector<8x1024xbf16>
    %swap3A_378 = vector.shape_cast %convert_element_type3A_372 : vector<8x1024xbf16> to vector<8x1x1024xbf16>
    tpu.vector_store %arg5[%swap3A_373, %swap3A_374, %swap3A_375], %swap3A_378 {strides = array<i32>} : memref<8x64x1024xbf16, #tpu.memory_space<vmem>>, vector<8x1x1024xbf16>,
    %convert_element_type3A_379 = arith.truncf %tanh3A_371 : vector<8x1024xf32> to vector<8x1024xbf16>
    %dot_general3A_380 = arith.constant dense<0.000000e+00> : vector<8x1024xf32>
    %dot_general3A_381 = tpu.matmul %convert_element_type3A_379, %get3A_16, %dot_general3A_380 {dimension_numbers = #tpu.dot_dimension_numbers<[1], [0], [0], [1], [0, 0, 1, 1], [], []>, transpose_lhs_hint = false} : vector<8x1024xbf16>, vector<1024x1024xbf16>, vector<8x1024xf32> -> vector<8x1024xf32>
    %get3A_382 = arith.constant 192 : index
    %get3A_383 = arith.constant 0 : index
    %get3A_384 = vector.load %arg7[%get3A_382, %get3A_383] : memref<512x1024xf32, #tpu.memory_space<vmem>>, vector<8x1024xf32>
    %add3A_385 = arith.addf %get3A_384, %dot_general3A_381 : vector<8x1024xf32>
    %tanh3A_386 = math.tanh %add3A_385 : vector<8x1024xf32>
    %convert_element_type3A_387 = arith.truncf %tanh3A_386 : vector<8x1024xf32> to vector<8x1024xbf16>
    %swap3A_388 = arith.constant 0 : index
    %swap3A_389 = arith.constant 24 : index
    %swap3A_390 = arith.constant 0 : index
    %swap3A_391 = vector.load %arg5[%swap3A_388, %swap3A_389, %swap3A_390] : memref<8x64x1024xbf16, #tpu.memory_space<vmem>>, vector<8x1x1024xbf16>
    %swap3A_392 = vector.shape_cast %swap3A_391 : vector<8x1x1024xbf16> to vector<8x1024xbf16>
    %swap3A_393 = vector.shape_cast %convert_element_type3A_387 : vector<8x1024xbf16> to vector<8x1x1024xbf16>
    tpu.vector_store %arg5[%swap3A_388, %swap3A_389, %swap3A_390], %swap3A_393 {strides = array<i32>} : memref<8x64x1024xbf16, #tpu.memory_space<vmem>>, vector<8x1x1024xbf16>,
    %convert_element_type3A_394 = arith.truncf %tanh3A_386 : vector<8x1024xf32> to vector<8x1024xbf16>
    %dot_general3A_395 = arith.constant dense<0.000000e+00> : vector<8x1024xf32>
    %dot_general3A_396 = tpu.matmul %convert_element_type3A_394, %get3A_16, %dot_general3A_395 {dimension_numbers = #tpu.dot_dimension_numbers<[1], [0], [0], [1], [0, 0, 1, 1], [], []>, transpose_lhs_hint = false} : vector<8x1024xbf16>, vector<1024x1024xbf16>, vector<8x1024xf32> -> vector<8x1024xf32>
    %get3A_397 = arith.constant 200 : index
    %get3A_398 = arith.constant 0 : index
    %get3A_399 = vector.load %arg7[%get3A_397, %get3A_398] : memref<512x1024xf32, #tpu.memory_space<vmem>>, vector<8x1024xf32>
    %add3A_400 = arith.addf %get3A_399, %dot_general3A_396 : vector<8x1024xf32>
    %tanh3A_401 = math.tanh %add3A_400 : vector<8x1024xf32>
    %convert_element_type3A_402 = arith.truncf %tanh3A_401 : vector<8x1024xf32> to vector<8x1024xbf16>
    %swap3A_403 = arith.constant 0 : index
    %swap3A_404 = arith.constant 25 : index
    %swap3A_405 = arith.constant 0 : index
    %swap3A_406 = vector.load %arg5[%swap3A_403, %swap3A_404, %swap3A_405] : memref<8x64x1024xbf16, #tpu.memory_space<vmem>>, vector<8x1x1024xbf16>
    %swap3A_407 = vector.shape_cast %swap3A_406 : vector<8x1x1024xbf16> to vector<8x1024xbf16>
    %swap3A_408 = vector.shape_cast %convert_element_type3A_402 : vector<8x1024xbf16> to vector<8x1x1024xbf16>
    tpu.vector_store %arg5[%swap3A_403, %swap3A_404, %swap3A_405], %swap3A_408 {strides = array<i32>} : memref<8x64x1024xbf16, #tpu.memory_space<vmem>>, vector<8x1x1024xbf16>,
    %convert_element_type3A_409 = arith.truncf %tanh3A_401 : vector<8x1024xf32> to vector<8x1024xbf16>
    %dot_general3A_410 = arith.constant dense<0.000000e+00> : vector<8x1024xf32>
    %dot_general3A_411 = tpu.matmul %convert_element_type3A_409, %get3A_16, %dot_general3A_410 {dimension_numbers = #tpu.dot_dimension_numbers<[1], [0], [0], [1], [0, 0, 1, 1], [], []>, transpose_lhs_hint = false} : vector<8x1024xbf16>, vector<1024x1024xbf16>, vector<8x1024xf32> -> vector<8x1024xf32>
    %get3A_412 = arith.constant 208 : index
    %get3A_413 = arith.constant 0 : index
    %get3A_414 = vector.load %arg7[%get3A_412, %get3A_413] : memref<512x1024xf32, #tpu.memory_space<vmem>>, vector<8x1024xf32>
    %add3A_415 = arith.addf %get3A_414, %dot_general3A_411 : vector<8x1024xf32>
    %tanh3A_416 = math.tanh %add3A_415 : vector<8x1024xf32>
    %convert_element_type3A_417 = arith.truncf %tanh3A_416 : vector<8x1024xf32> to vector<8x1024xbf16>
    %swap3A_418 = arith.constant 0 : index
    %swap3A_419 = arith.constant 26 : index
    %swap3A_420 = arith.constant 0 : index
    %swap3A_421 = vector.load %arg5[%swap3A_418, %swap3A_419, %swap3A_420] : memref<8x64x1024xbf16, #tpu.memory_space<vmem>>, vector<8x1x1024xbf16>
    %swap3A_422 = vector.shape_cast %swap3A_421 : vector<8x1x1024xbf16> to vector<8x1024xbf16>
    %swap3A_423 = vector.shape_cast %convert_element_type3A_417 : vector<8x1024xbf16> to vector<8x1x1024xbf16>
    tpu.vector_store %arg5[%swap3A_418, %swap3A_419, %swap3A_420], %swap3A_423 {strides = array<i32>} : memref<8x64x1024xbf16, #tpu.memory_space<vmem>>, vector<8x1x1024xbf16>,
    %convert_element_type3A_424 = arith.truncf %tanh3A_416 : vector<8x1024xf32> to vector<8x1024xbf16>
    %dot_general3A_425 = arith.constant dense<0.000000e+00> : vector<8x1024xf32>
    %dot_general3A_426 = tpu.matmul %convert_element_type3A_424, %get3A_16, %dot_general3A_425 {dimension_numbers = #tpu.dot_dimension_numbers<[1], [0], [0], [1], [0, 0, 1, 1], [], []>, transpose_lhs_hint = false} : vector<8x1024xbf16>, vector<1024x1024xbf16>, vector<8x1024xf32> -> vector<8x1024xf32>
    %get3A_427 = arith.constant 216 : index
    %get3A_428 = arith.constant 0 : index
    %get3A_429 = vector.load %arg7[%get3A_427, %get3A_428] : memref<512x1024xf32, #tpu.memory_space<vmem>>, vector<8x1024xf32>
    %add3A_430 = arith.addf %get3A_429, %dot_general3A_426 : vector<8x1024xf32>
    %tanh3A_431 = math.tanh %add3A_430 : vector<8x1024xf32>
    %convert_element_type3A_432 = arith.truncf %tanh3A_431 : vector<8x1024xf32> to vector<8x1024xbf16>
    %swap3A_433 = arith.constant 0 : index
    %swap3A_434 = arith.constant 27 : index
    %swap3A_435 = arith.constant 0 : index
    %swap3A_436 = vector.load %arg5[%swap3A_433, %swap3A_434, %swap3A_435] : memref<8x64x1024xbf16, #tpu.memory_space<vmem>>, vector<8x1x1024xbf16>
    %swap3A_437 = vector.shape_cast %swap3A_436 : vector<8x1x1024xbf16> to vector<8x1024xbf16>
    %swap3A_438 = vector.shape_cast %convert_element_type3A_432 : vector<8x1024xbf16> to vector<8x1x1024xbf16>
    tpu.vector_store %arg5[%swap3A_433, %swap3A_434, %swap3A_435], %swap3A_438 {strides = array<i32>} : memref<8x64x1024xbf16, #tpu.memory_space<vmem>>, vector<8x1x1024xbf16>,
    %convert_element_type3A_439 = arith.truncf %tanh3A_431 : vector<8x1024xf32> to vector<8x1024xbf16>
    %dot_general3A_440 = arith.constant dense<0.000000e+00> : vector<8x1024xf32>
    %dot_general3A_441 = tpu.matmul %convert_element_type3A_439, %get3A_16, %dot_general3A_440 {dimension_numbers = #tpu.dot_dimension_numbers<[1], [0], [0], [1], [0, 0, 1, 1], [], []>, transpose_lhs_hint = false} : vector<8x1024xbf16>, vector<1024x1024xbf16>, vector<8x1024xf32> -> vector<8x1024xf32>
    %get3A_442 = arith.constant 224 : index
    %get3A_443 = arith.constant 0 : index
    %get3A_444 = vector.load %arg7[%get3A_442, %get3A_443] : memref<512x1024xf32, #tpu.memory_space<vmem>>, vector<8x1024xf32>
    %add3A_445 = arith.addf %get3A_444, %dot_general3A_441 : vector<8x1024xf32>
    %tanh3A_446 = math.tanh %add3A_445 : vector<8x1024xf32>
    %convert_element_type3A_447 = arith.truncf %tanh3A_446 : vector<8x1024xf32> to vector<8x1024xbf16>
    %swap3A_448 = arith.constant 0 : index
    %swap3A_449 = arith.constant 28 : index
    %swap3A_450 = arith.constant 0 : index
    %swap3A_451 = vector.load %arg5[%swap3A_448, %swap3A_449, %swap3A_450] : memref<8x64x1024xbf16, #tpu.memory_space<vmem>>, vector<8x1x1024xbf16>
    %swap3A_452 = vector.shape_cast %swap3A_451 : vector<8x1x1024xbf16> to vector<8x1024xbf16>
    %swap3A_453 = vector.shape_cast %convert_element_type3A_447 : vector<8x1024xbf16> to vector<8x1x1024xbf16>
    tpu.vector_store %arg5[%swap3A_448, %swap3A_449, %swap3A_450], %swap3A_453 {strides = array<i32>} : memref<8x64x1024xbf16, #tpu.memory_space<vmem>>, vector<8x1x1024xbf16>,
    %convert_element_type3A_454 = arith.truncf %tanh3A_446 : vector<8x1024xf32> to vector<8x1024xbf16>
    %dot_general3A_455 = arith.constant dense<0.000000e+00> : vector<8x1024xf32>
    %dot_general3A_456 = tpu.matmul %convert_element_type3A_454, %get3A_16, %dot_general3A_455 {dimension_numbers = #tpu.dot_dimension_numbers<[1], [0], [0], [1], [0, 0, 1, 1], [], []>, transpose_lhs_hint = false} : vector<8x1024xbf16>, vector<1024x1024xbf16>, vector<8x1024xf32> -> vector<8x1024xf32>
    %get3A_457 = arith.constant 232 : index
    %get3A_458 = arith.constant 0 : index
    %get3A_459 = vector.load %arg7[%get3A_457, %get3A_458] : memref<512x1024xf32, #tpu.memory_space<vmem>>, vector<8x1024xf32>
    %add3A_460 = arith.addf %get3A_459, %dot_general3A_456 : vector<8x1024xf32>
    %tanh3A_461 = math.tanh %add3A_460 : vector<8x1024xf32>
    %convert_element_type3A_462 = arith.truncf %tanh3A_461 : vector<8x1024xf32> to vector<8x1024xbf16>
    %swap3A_463 = arith.constant 0 : index
    %swap3A_464 = arith.constant 29 : index
    %swap3A_465 = arith.constant 0 : index
    %swap3A_466 = vector.load %arg5[%swap3A_463, %swap3A_464, %swap3A_465] : memref<8x64x1024xbf16, #tpu.memory_space<vmem>>, vector<8x1x1024xbf16>
    %swap3A_467 = vector.shape_cast %swap3A_466 : vector<8x1x1024xbf16> to vector<8x1024xbf16>
    %swap3A_468 = vector.shape_cast %convert_element_type3A_462 : vector<8x1024xbf16> to vector<8x1x1024xbf16>
    tpu.vector_store %arg5[%swap3A_463, %swap3A_464, %swap3A_465], %swap3A_468 {strides = array<i32>} : memref<8x64x1024xbf16, #tpu.memory_space<vmem>>, vector<8x1x1024xbf16>,
    %convert_element_type3A_469 = arith.truncf %tanh3A_461 : vector<8x1024xf32> to vector<8x1024xbf16>
    %dot_general3A_470 = arith.constant dense<0.000000e+00> : vector<8x1024xf32>
    %dot_general3A_471 = tpu.matmul %convert_element_type3A_469, %get3A_16, %dot_general3A_470 {dimension_numbers = #tpu.dot_dimension_numbers<[1], [0], [0], [1], [0, 0, 1, 1], [], []>, transpose_lhs_hint = false} : vector<8x1024xbf16>, vector<1024x1024xbf16>, vector<8x1024xf32> -> vector<8x1024xf32>
    %get3A_472 = arith.constant 240 : index
    %get3A_473 = arith.constant 0 : index
    %get3A_474 = vector.load %arg7[%get3A_472, %get3A_473] : memref<512x1024xf32, #tpu.memory_space<vmem>>, vector<8x1024xf32>
    %add3A_475 = arith.addf %get3A_474, %dot_general3A_471 : vector<8x1024xf32>
    %tanh3A_476 = math.tanh %add3A_475 : vector<8x1024xf32>
    %convert_element_type3A_477 = arith.truncf %tanh3A_476 : vector<8x1024xf32> to vector<8x1024xbf16>
    %swap3A_478 = arith.constant 0 : index
    %swap3A_479 = arith.constant 30 : index
    %swap3A_480 = arith.constant 0 : index
    %swap3A_481 = vector.load %arg5[%swap3A_478, %swap3A_479, %swap3A_480] : memref<8x64x1024xbf16, #tpu.memory_space<vmem>>, vector<8x1x1024xbf16>
    %swap3A_482 = vector.shape_cast %swap3A_481 : vector<8x1x1024xbf16> to vector<8x1024xbf16>
    %swap3A_483 = vector.shape_cast %convert_element_type3A_477 : vector<8x1024xbf16> to vector<8x1x1024xbf16>
    tpu.vector_store %arg5[%swap3A_478, %swap3A_479, %swap3A_480], %swap3A_483 {strides = array<i32>} : memref<8x64x1024xbf16, #tpu.memory_space<vmem>>, vector<8x1x1024xbf16>,
    %convert_element_type3A_484 = arith.truncf %tanh3A_476 : vector<8x1024xf32> to vector<8x1024xbf16>
    %dot_general3A_485 = arith.constant dense<0.000000e+00> : vector<8x1024xf32>
    %dot_general3A_486 = tpu.matmul %convert_element_type3A_484, %get3A_16, %dot_general3A_485 {dimension_numbers = #tpu.dot_dimension_numbers<[1], [0], [0], [1], [0, 0, 1, 1], [], []>, transpose_lhs_hint = false} : vector<8x1024xbf16>, vector<1024x1024xbf16>, vector<8x1024xf32> -> vector<8x1024xf32>
    %get3A_487 = arith.constant 248 : index
    %get3A_488 = arith.constant 0 : index
    %get3A_489 = vector.load %arg7[%get3A_487, %get3A_488] : memref<512x1024xf32, #tpu.memory_space<vmem>>, vector<8x1024xf32>
    %add3A_490 = arith.addf %get3A_489, %dot_general3A_486 : vector<8x1024xf32>
    %tanh3A_491 = math.tanh %add3A_490 : vector<8x1024xf32>
    %convert_element_type3A_492 = arith.truncf %tanh3A_491 : vector<8x1024xf32> to vector<8x1024xbf16>
    %swap3A_493 = arith.constant 0 : index
    %swap3A_494 = arith.constant 31 : index
    %swap3A_495 = arith.constant 0 : index
    %swap3A_496 = vector.load %arg5[%swap3A_493, %swap3A_494, %swap3A_495] : memref<8x64x1024xbf16, #tpu.memory_space<vmem>>, vector<8x1x1024xbf16>
    %swap3A_497 = vector.shape_cast %swap3A_496 : vector<8x1x1024xbf16> to vector<8x1024xbf16>
    %swap3A_498 = vector.shape_cast %convert_element_type3A_492 : vector<8x1024xbf16> to vector<8x1x1024xbf16>
    tpu.vector_store %arg5[%swap3A_493, %swap3A_494, %swap3A_495], %swap3A_498 {strides = array<i32>} : memref<8x64x1024xbf16, #tpu.memory_space<vmem>>, vector<8x1x1024xbf16>,
    %convert_element_type3A_499 = arith.truncf %tanh3A_491 : vector<8x1024xf32> to vector<8x1024xbf16>
    %dot_general3A_500 = arith.constant dense<0.000000e+00> : vector<8x1024xf32>
    %dot_general3A_501 = tpu.matmul %convert_element_type3A_499, %get3A_16, %dot_general3A_500 {dimension_numbers = #tpu.dot_dimension_numbers<[1], [0], [0], [1], [0, 0, 1, 1], [], []>, transpose_lhs_hint = false} : vector<8x1024xbf16>, vector<1024x1024xbf16>, vector<8x1024xf32> -> vector<8x1024xf32>
    %get3A_502 = arith.constant 256 : index
    %get3A_503 = arith.constant 0 : index
    %get3A_504 = vector.load %arg7[%get3A_502, %get3A_503] : memref<512x1024xf32, #tpu.memory_space<vmem>>, vector<8x1024xf32>
    %add3A_505 = arith.addf %get3A_504, %dot_general3A_501 : vector<8x1024xf32>
    %tanh3A_506 = math.tanh %add3A_505 : vector<8x1024xf32>
    %convert_element_type3A_507 = arith.truncf %tanh3A_506 : vector<8x1024xf32> to vector<8x1024xbf16>
    %swap3A_508 = arith.constant 0 : index
    %swap3A_509 = arith.constant 32 : index
    %swap3A_510 = arith.constant 0 : index
    %swap3A_511 = vector.load %arg5[%swap3A_508, %swap3A_509, %swap3A_510] : memref<8x64x1024xbf16, #tpu.memory_space<vmem>>, vector<8x1x1024xbf16>
    %swap3A_512 = vector.shape_cast %swap3A_511 : vector<8x1x1024xbf16> to vector<8x1024xbf16>
    %swap3A_513 = vector.shape_cast %convert_element_type3A_507 : vector<8x1024xbf16> to vector<8x1x1024xbf16>
    tpu.vector_store %arg5[%swap3A_508, %swap3A_509, %swap3A_510], %swap3A_513 {strides = array<i32>} : memref<8x64x1024xbf16, #tpu.memory_space<vmem>>, vector<8x1x1024xbf16>,
    %convert_element_type3A_514 = arith.truncf %tanh3A_506 : vector<8x1024xf32> to vector<8x1024xbf16>
    %dot_general3A_515 = arith.constant dense<0.000000e+00> : vector<8x1024xf32>
    %dot_general3A_516 = tpu.matmul %convert_element_type3A_514, %get3A_16, %dot_general3A_515 {dimension_numbers = #tpu.dot_dimension_numbers<[1], [0], [0], [1], [0, 0, 1, 1], [], []>, transpose_lhs_hint = false} : vector<8x1024xbf16>, vector<1024x1024xbf16>, vector<8x1024xf32> -> vector<8x1024xf32>
    %get3A_517 = arith.constant 264 : index
    %get3A_518 = arith.constant 0 : index
    %get3A_519 = vector.load %arg7[%get3A_517, %get3A_518] : memref<512x1024xf32, #tpu.memory_space<vmem>>, vector<8x1024xf32>
    %add3A_520 = arith.addf %get3A_519, %dot_general3A_516 : vector<8x1024xf32>
    %tanh3A_521 = math.tanh %add3A_520 : vector<8x1024xf32>
    %convert_element_type3A_522 = arith.truncf %tanh3A_521 : vector<8x1024xf32> to vector<8x1024xbf16>
    %swap3A_523 = arith.constant 0 : index
    %swap3A_524 = arith.constant 33 : index
    %swap3A_525 = arith.constant 0 : index
    %swap3A_526 = vector.load %arg5[%swap3A_523, %swap3A_524, %swap3A_525] : memref<8x64x1024xbf16, #tpu.memory_space<vmem>>, vector<8x1x1024xbf16>
    %swap3A_527 = vector.shape_cast %swap3A_526 : vector<8x1x1024xbf16> to vector<8x1024xbf16>
    %swap3A_528 = vector.shape_cast %convert_element_type3A_522 : vector<8x1024xbf16> to vector<8x1x1024xbf16>
    tpu.vector_store %arg5[%swap3A_523, %swap3A_524, %swap3A_525], %swap3A_528 {strides = array<i32>} : memref<8x64x1024xbf16, #tpu.memory_space<vmem>>, vector<8x1x1024xbf16>,
    %convert_element_type3A_529 = arith.truncf %tanh3A_521 : vector<8x1024xf32> to vector<8x1024xbf16>
    %dot_general3A_530 = arith.constant dense<0.000000e+00> : vector<8x1024xf32>
    %dot_general3A_531 = tpu.matmul %convert_element_type3A_529, %get3A_16, %dot_general3A_530 {dimension_numbers = #tpu.dot_dimension_numbers<[1], [0], [0], [1], [0, 0, 1, 1], [], []>, transpose_lhs_hint = false} : vector<8x1024xbf16>, vector<1024x1024xbf16>, vector<8x1024xf32> -> vector<8x1024xf32>
    %get3A_532 = arith.constant 272 : index
    %get3A_533 = arith.constant 0 : index
    %get3A_534 = vector.load %arg7[%get3A_532, %get3A_533] : memref<512x1024xf32, #tpu.memory_space<vmem>>, vector<8x1024xf32>
    %add3A_535 = arith.addf %get3A_534, %dot_general3A_531 : vector<8x1024xf32>
    %tanh3A_536 = math.tanh %add3A_535 : vector<8x1024xf32>
    %convert_element_type3A_537 = arith.truncf %tanh3A_536 : vector<8x1024xf32> to vector<8x1024xbf16>
    %swap3A_538 = arith.constant 0 : index
    %swap3A_539 = arith.constant 34 : index
    %swap3A_540 = arith.constant 0 : index
    %swap3A_541 = vector.load %arg5[%swap3A_538, %swap3A_539, %swap3A_540] : memref<8x64x1024xbf16, #tpu.memory_space<vmem>>, vector<8x1x1024xbf16>
    %swap3A_542 = vector.shape_cast %swap3A_541 : vector<8x1x1024xbf16> to vector<8x1024xbf16>
    %swap3A_543 = vector.shape_cast %convert_element_type3A_537 : vector<8x1024xbf16> to vector<8x1x1024xbf16>
    tpu.vector_store %arg5[%swap3A_538, %swap3A_539, %swap3A_540], %swap3A_543 {strides = array<i32>} : memref<8x64x1024xbf16, #tpu.memory_space<vmem>>, vector<8x1x1024xbf16>,
    %convert_element_type3A_544 = arith.truncf %tanh3A_536 : vector<8x1024xf32> to vector<8x1024xbf16>
    %dot_general3A_545 = arith.constant dense<0.000000e+00> : vector<8x1024xf32>
    %dot_general3A_546 = tpu.matmul %convert_element_type3A_544, %get3A_16, %dot_general3A_545 {dimension_numbers = #tpu.dot_dimension_numbers<[1], [0], [0], [1], [0, 0, 1, 1], [], []>, transpose_lhs_hint = false} : vector<8x1024xbf16>, vector<1024x1024xbf16>, vector<8x1024xf32> -> vector<8x1024xf32>
    %get3A_547 = arith.constant 280 : index
    %get3A_548 = arith.constant 0 : index
    %get3A_549 = vector.load %arg7[%get3A_547, %get3A_548] : memref<512x1024xf32, #tpu.memory_space<vmem>>, vector<8x1024xf32>
    %add3A_550 = arith.addf %get3A_549, %dot_general3A_546 : vector<8x1024xf32>
    %tanh3A_551 = math.tanh %add3A_550 : vector<8x1024xf32>
    %convert_element_type3A_552 = arith.truncf %tanh3A_551 : vector<8x1024xf32> to vector<8x1024xbf16>
    %swap3A_553 = arith.constant 0 : index
    %swap3A_554 = arith.constant 35 : index
    %swap3A_555 = arith.constant 0 : index
    %swap3A_556 = vector.load %arg5[%swap3A_553, %swap3A_554, %swap3A_555] : memref<8x64x1024xbf16, #tpu.memory_space<vmem>>, vector<8x1x1024xbf16>
    %swap3A_557 = vector.shape_cast %swap3A_556 : vector<8x1x1024xbf16> to vector<8x1024xbf16>
    %swap3A_558 = vector.shape_cast %convert_element_type3A_552 : vector<8x1024xbf16> to vector<8x1x1024xbf16>
    tpu.vector_store %arg5[%swap3A_553, %swap3A_554, %swap3A_555], %swap3A_558 {strides = array<i32>} : memref<8x64x1024xbf16, #tpu.memory_space<vmem>>, vector<8x1x1024xbf16>,
    %convert_element_type3A_559 = arith.truncf %tanh3A_551 : vector<8x1024xf32> to vector<8x1024xbf16>
    %dot_general3A_560 = arith.constant dense<0.000000e+00> : vector<8x1024xf32>
    %dot_general3A_561 = tpu.matmul %convert_element_type3A_559, %get3A_16, %dot_general3A_560 {dimension_numbers = #tpu.dot_dimension_numbers<[1], [0], [0], [1], [0, 0, 1, 1], [], []>, transpose_lhs_hint = false} : vector<8x1024xbf16>, vector<1024x1024xbf16>, vector<8x1024xf32> -> vector<8x1024xf32>
    %get3A_562 = arith.constant 288 : index
    %get3A_563 = arith.constant 0 : index
    %get3A_564 = vector.load %arg7[%get3A_562, %get3A_563] : memref<512x1024xf32, #tpu.memory_space<vmem>>, vector<8x1024xf32>
    %add3A_565 = arith.addf %get3A_564, %dot_general3A_561 : vector<8x1024xf32>
    %tanh3A_566 = math.tanh %add3A_565 : vector<8x1024xf32>
    %convert_element_type3A_567 = arith.truncf %tanh3A_566 : vector<8x1024xf32> to vector<8x1024xbf16>
    %swap3A_568 = arith.constant 0 : index
    %swap3A_569 = arith.constant 36 : index
    %swap3A_570 = arith.constant 0 : index
    %swap3A_571 = vector.load %arg5[%swap3A_568, %swap3A_569, %swap3A_570] : memref<8x64x1024xbf16, #tpu.memory_space<vmem>>, vector<8x1x1024xbf16>
    %swap3A_572 = vector.shape_cast %swap3A_571 : vector<8x1x1024xbf16> to vector<8x1024xbf16>
    %swap3A_573 = vector.shape_cast %convert_element_type3A_567 : vector<8x1024xbf16> to vector<8x1x1024xbf16>
    tpu.vector_store %arg5[%swap3A_568, %swap3A_569, %swap3A_570], %swap3A_573 {strides = array<i32>} : memref<8x64x1024xbf16, #tpu.memory_space<vmem>>, vector<8x1x1024xbf16>,
    %convert_element_type3A_574 = arith.truncf %tanh3A_566 : vector<8x1024xf32> to vector<8x1024xbf16>
    %dot_general3A_575 = arith.constant dense<0.000000e+00> : vector<8x1024xf32>
    %dot_general3A_576 = tpu.matmul %convert_element_type3A_574, %get3A_16, %dot_general3A_575 {dimension_numbers = #tpu.dot_dimension_numbers<[1], [0], [0], [1], [0, 0, 1, 1], [], []>, transpose_lhs_hint = false} : vector<8x1024xbf16>, vector<1024x1024xbf16>, vector<8x1024xf32> -> vector<8x1024xf32>
    %get3A_577 = arith.constant 296 : index
    %get3A_578 = arith.constant 0 : index
    %get3A_579 = vector.load %arg7[%get3A_577, %get3A_578] : memref<512x1024xf32, #tpu.memory_space<vmem>>, vector<8x1024xf32>
    %add3A_580 = arith.addf %get3A_579, %dot_general3A_576 : vector<8x1024xf32>
    %tanh3A_581 = math.tanh %add3A_580 : vector<8x1024xf32>
    %convert_element_type3A_582 = arith.truncf %tanh3A_581 : vector<8x1024xf32> to vector<8x1024xbf16>
    %swap3A_583 = arith.constant 0 : index
    %swap3A_584 = arith.constant 37 : index
    %swap3A_585 = arith.constant 0 : index
    %swap3A_586 = vector.load %arg5[%swap3A_583, %swap3A_584, %swap3A_585] : memref<8x64x1024xbf16, #tpu.memory_space<vmem>>, vector<8x1x1024xbf16>
    %swap3A_587 = vector.shape_cast %swap3A_586 : vector<8x1x1024xbf16> to vector<8x1024xbf16>
    %swap3A_588 = vector.shape_cast %convert_element_type3A_582 : vector<8x1024xbf16> to vector<8x1x1024xbf16>
    tpu.vector_store %arg5[%swap3A_583, %swap3A_584, %swap3A_585], %swap3A_588 {strides = array<i32>} : memref<8x64x1024xbf16, #tpu.memory_space<vmem>>, vector<8x1x1024xbf16>,
    %convert_element_type3A_589 = arith.truncf %tanh3A_581 : vector<8x1024xf32> to vector<8x1024xbf16>
    %dot_general3A_590 = arith.constant dense<0.000000e+00> : vector<8x1024xf32>
    %dot_general3A_591 = tpu.matmul %convert_element_type3A_589, %get3A_16, %dot_general3A_590 {dimension_numbers = #tpu.dot_dimension_numbers<[1], [0], [0], [1], [0, 0, 1, 1], [], []>, transpose_lhs_hint = false} : vector<8x1024xbf16>, vector<1024x1024xbf16>, vector<8x1024xf32> -> vector<8x1024xf32>
    %get3A_592 = arith.constant 304 : index
    %get3A_593 = arith.constant 0 : index
    %get3A_594 = vector.load %arg7[%get3A_592, %get3A_593] : memref<512x1024xf32, #tpu.memory_space<vmem>>, vector<8x1024xf32>
    %add3A_595 = arith.addf %get3A_594, %dot_general3A_591 : vector<8x1024xf32>
    %tanh3A_596 = math.tanh %add3A_595 : vector<8x1024xf32>
    %convert_element_type3A_597 = arith.truncf %tanh3A_596 : vector<8x1024xf32> to vector<8x1024xbf16>
    %swap3A_598 = arith.constant 0 : index
    %swap3A_599 = arith.constant 38 : index
    %swap3A_600 = arith.constant 0 : index
    %swap3A_601 = vector.load %arg5[%swap3A_598, %swap3A_599, %swap3A_600] : memref<8x64x1024xbf16, #tpu.memory_space<vmem>>, vector<8x1x1024xbf16>
    %swap3A_602 = vector.shape_cast %swap3A_601 : vector<8x1x1024xbf16> to vector<8x1024xbf16>
    %swap3A_603 = vector.shape_cast %convert_element_type3A_597 : vector<8x1024xbf16> to vector<8x1x1024xbf16>
    tpu.vector_store %arg5[%swap3A_598, %swap3A_599, %swap3A_600], %swap3A_603 {strides = array<i32>} : memref<8x64x1024xbf16, #tpu.memory_space<vmem>>, vector<8x1x1024xbf16>,
    %convert_element_type3A_604 = arith.truncf %tanh3A_596 : vector<8x1024xf32> to vector<8x1024xbf16>
    %dot_general3A_605 = arith.constant dense<0.000000e+00> : vector<8x1024xf32>
    %dot_general3A_606 = tpu.matmul %convert_element_type3A_604, %get3A_16, %dot_general3A_605 {dimension_numbers = #tpu.dot_dimension_numbers<[1], [0], [0], [1], [0, 0, 1, 1], [], []>, transpose_lhs_hint = false} : vector<8x1024xbf16>, vector<1024x1024xbf16>, vector<8x1024xf32> -> vector<8x1024xf32>
    %get3A_607 = arith.constant 312 : index
    %get3A_608 = arith.constant 0 : index
    %get3A_609 = vector.load %arg7[%get3A_607, %get3A_608] : memref<512x1024xf32, #tpu.memory_space<vmem>>, vector<8x1024xf32>
    %add3A_610 = arith.addf %get3A_609, %dot_general3A_606 : vector<8x1024xf32>
    %tanh3A_611 = math.tanh %add3A_610 : vector<8x1024xf32>
    %convert_element_type3A_612 = arith.truncf %tanh3A_611 : vector<8x1024xf32> to vector<8x1024xbf16>
    %swap3A_613 = arith.constant 0 : index
    %swap3A_614 = arith.constant 39 : index
    %swap3A_615 = arith.constant 0 : index
    %swap3A_616 = vector.load %arg5[%swap3A_613, %swap3A_614, %swap3A_615] : memref<8x64x1024xbf16, #tpu.memory_space<vmem>>, vector<8x1x1024xbf16>
    %swap3A_617 = vector.shape_cast %swap3A_616 : vector<8x1x1024xbf16> to vector<8x1024xbf16>
    %swap3A_618 = vector.shape_cast %convert_element_type3A_612 : vector<8x1024xbf16> to vector<8x1x1024xbf16>
    tpu.vector_store %arg5[%swap3A_613, %swap3A_614, %swap3A_615], %swap3A_618 {strides = array<i32>} : memref<8x64x1024xbf16, #tpu.memory_space<vmem>>, vector<8x1x1024xbf16>,
    %convert_element_type3A_619 = arith.truncf %tanh3A_611 : vector<8x1024xf32> to vector<8x1024xbf16>
    %dot_general3A_620 = arith.constant dense<0.000000e+00> : vector<8x1024xf32>
    %dot_general3A_621 = tpu.matmul %convert_element_type3A_619, %get3A_16, %dot_general3A_620 {dimension_numbers = #tpu.dot_dimension_numbers<[1], [0], [0], [1], [0, 0, 1, 1], [], []>, transpose_lhs_hint = false} : vector<8x1024xbf16>, vector<1024x1024xbf16>, vector<8x1024xf32> -> vector<8x1024xf32>
    %get3A_622 = arith.constant 320 : index
    %get3A_623 = arith.constant 0 : index
    %get3A_624 = vector.load %arg7[%get3A_622, %get3A_623] : memref<512x1024xf32, #tpu.memory_space<vmem>>, vector<8x1024xf32>
    %add3A_625 = arith.addf %get3A_624, %dot_general3A_621 : vector<8x1024xf32>
    %tanh3A_626 = math.tanh %add3A_625 : vector<8x1024xf32>
    %convert_element_type3A_627 = arith.truncf %tanh3A_626 : vector<8x1024xf32> to vector<8x1024xbf16>
    %swap3A_628 = arith.constant 0 : index
    %swap3A_629 = arith.constant 40 : index
    %swap3A_630 = arith.constant 0 : index
    %swap3A_631 = vector.load %arg5[%swap3A_628, %swap3A_629, %swap3A_630] : memref<8x64x1024xbf16, #tpu.memory_space<vmem>>, vector<8x1x1024xbf16>
    %swap3A_632 = vector.shape_cast %swap3A_631 : vector<8x1x1024xbf16> to vector<8x1024xbf16>
    %swap3A_633 = vector.shape_cast %convert_element_type3A_627 : vector<8x1024xbf16> to vector<8x1x1024xbf16>
    tpu.vector_store %arg5[%swap3A_628, %swap3A_629, %swap3A_630], %swap3A_633 {strides = array<i32>} : memref<8x64x1024xbf16, #tpu.memory_space<vmem>>, vector<8x1x1024xbf16>,
    %convert_element_type3A_634 = arith.truncf %tanh3A_626 : vector<8x1024xf32> to vector<8x1024xbf16>
    %dot_general3A_635 = arith.constant dense<0.000000e+00> : vector<8x1024xf32>
    %dot_general3A_636 = tpu.matmul %convert_element_type3A_634, %get3A_16, %dot_general3A_635 {dimension_numbers = #tpu.dot_dimension_numbers<[1], [0], [0], [1], [0, 0, 1, 1], [], []>, transpose_lhs_hint = false} : vector<8x1024xbf16>, vector<1024x1024xbf16>, vector<8x1024xf32> -> vector<8x1024xf32>
    %get3A_637 = arith.constant 328 : index
    %get3A_638 = arith.constant 0 : index
    %get3A_639 = vector.load %arg7[%get3A_637, %get3A_638] : memref<512x1024xf32, #tpu.memory_space<vmem>>, vector<8x1024xf32>
    %add3A_640 = arith.addf %get3A_639, %dot_general3A_636 : vector<8x1024xf32>
    %tanh3A_641 = math.tanh %add3A_640 : vector<8x1024xf32>
    %convert_element_type3A_642 = arith.truncf %tanh3A_641 : vector<8x1024xf32> to vector<8x1024xbf16>
    %swap3A_643 = arith.constant 0 : index
    %swap3A_644 = arith.constant 41 : index
    %swap3A_645 = arith.constant 0 : index
    %swap3A_646 = vector.load %arg5[%swap3A_643, %swap3A_644, %swap3A_645] : memref<8x64x1024xbf16, #tpu.memory_space<vmem>>, vector<8x1x1024xbf16>
    %swap3A_647 = vector.shape_cast %swap3A_646 : vector<8x1x1024xbf16> to vector<8x1024xbf16>
    %swap3A_648 = vector.shape_cast %convert_element_type3A_642 : vector<8x1024xbf16> to vector<8x1x1024xbf16>
    tpu.vector_store %arg5[%swap3A_643, %swap3A_644, %swap3A_645], %swap3A_648 {strides = array<i32>} : memref<8x64x1024xbf16, #tpu.memory_space<vmem>>, vector<8x1x1024xbf16>,
    %convert_element_type3A_649 = arith.truncf %tanh3A_641 : vector<8x1024xf32> to vector<8x1024xbf16>
    %dot_general3A_650 = arith.constant dense<0.000000e+00> : vector<8x1024xf32>
    %dot_general3A_651 = tpu.matmul %convert_element_type3A_649, %get3A_16, %dot_general3A_650 {dimension_numbers = #tpu.dot_dimension_numbers<[1], [0], [0], [1], [0, 0, 1, 1], [], []>, transpose_lhs_hint = false} : vector<8x1024xbf16>, vector<1024x1024xbf16>, vector<8x1024xf32> -> vector<8x1024xf32>
    %get3A_652 = arith.constant 336 : index
    %get3A_653 = arith.constant 0 : index
    %get3A_654 = vector.load %arg7[%get3A_652, %get3A_653] : memref<512x1024xf32, #tpu.memory_space<vmem>>, vector<8x1024xf32>
    %add3A_655 = arith.addf %get3A_654, %dot_general3A_651 : vector<8x1024xf32>
    %tanh3A_656 = math.tanh %add3A_655 : vector<8x1024xf32>
    %convert_element_type3A_657 = arith.truncf %tanh3A_656 : vector<8x1024xf32> to vector<8x1024xbf16>
    %swap3A_658 = arith.constant 0 : index
    %swap3A_659 = arith.constant 42 : index
    %swap3A_660 = arith.constant 0 : index
    %swap3A_661 = vector.load %arg5[%swap3A_658, %swap3A_659, %swap3A_660] : memref<8x64x1024xbf16, #tpu.memory_space<vmem>>, vector<8x1x1024xbf16>
    %swap3A_662 = vector.shape_cast %swap3A_661 : vector<8x1x1024xbf16> to vector<8x1024xbf16>
    %swap3A_663 = vector.shape_cast %convert_element_type3A_657 : vector<8x1024xbf16> to vector<8x1x1024xbf16>
    tpu.vector_store %arg5[%swap3A_658, %swap3A_659, %swap3A_660], %swap3A_663 {strides = array<i32>} : memref<8x64x1024xbf16, #tpu.memory_space<vmem>>, vector<8x1x1024xbf16>,
    %convert_element_type3A_664 = arith.truncf %tanh3A_656 : vector<8x1024xf32> to vector<8x1024xbf16>
    %dot_general3A_665 = arith.constant dense<0.000000e+00> : vector<8x1024xf32>
    %dot_general3A_666 = tpu.matmul %convert_element_type3A_664, %get3A_16, %dot_general3A_665 {dimension_numbers = #tpu.dot_dimension_numbers<[1], [0], [0], [1], [0, 0, 1, 1], [], []>, transpose_lhs_hint = false} : vector<8x1024xbf16>, vector<1024x1024xbf16>, vector<8x1024xf32> -> vector<8x1024xf32>
    %get3A_667 = arith.constant 344 : index
    %get3A_668 = arith.constant 0 : index
    %get3A_669 = vector.load %arg7[%get3A_667, %get3A_668] : memref<512x1024xf32, #tpu.memory_space<vmem>>, vector<8x1024xf32>
    %add3A_670 = arith.addf %get3A_669, %dot_general3A_666 : vector<8x1024xf32>
    %tanh3A_671 = math.tanh %add3A_670 : vector<8x1024xf32>
    %convert_element_type3A_672 = arith.truncf %tanh3A_671 : vector<8x1024xf32> to vector<8x1024xbf16>
    %swap3A_673 = arith.constant 0 : index
    %swap3A_674 = arith.constant 43 : index
    %swap3A_675 = arith.constant 0 : index
    %swap3A_676 = vector.load %arg5[%swap3A_673, %swap3A_674, %swap3A_675] : memref<8x64x1024xbf16, #tpu.memory_space<vmem>>, vector<8x1x1024xbf16>
    %swap3A_677 = vector.shape_cast %swap3A_676 : vector<8x1x1024xbf16> to vector<8x1024xbf16>
    %swap3A_678 = vector.shape_cast %convert_element_type3A_672 : vector<8x1024xbf16> to vector<8x1x1024xbf16>
    tpu.vector_store %arg5[%swap3A_673, %swap3A_674, %swap3A_675], %swap3A_678 {strides = array<i32>} : memref<8x64x1024xbf16, #tpu.memory_space<vmem>>, vector<8x1x1024xbf16>,
    %convert_element_type3A_679 = arith.truncf %tanh3A_671 : vector<8x1024xf32> to vector<8x1024xbf16>
    %dot_general3A_680 = arith.constant dense<0.000000e+00> : vector<8x1024xf32>
    %dot_general3A_681 = tpu.matmul %convert_element_type3A_679, %get3A_16, %dot_general3A_680 {dimension_numbers = #tpu.dot_dimension_numbers<[1], [0], [0], [1], [0, 0, 1, 1], [], []>, transpose_lhs_hint = false} : vector<8x1024xbf16>, vector<1024x1024xbf16>, vector<8x1024xf32> -> vector<8x1024xf32>
    %get3A_682 = arith.constant 352 : index
    %get3A_683 = arith.constant 0 : index
    %get3A_684 = vector.load %arg7[%get3A_682, %get3A_683] : memref<512x1024xf32, #tpu.memory_space<vmem>>, vector<8x1024xf32>
    %add3A_685 = arith.addf %get3A_684, %dot_general3A_681 : vector<8x1024xf32>
    %tanh3A_686 = math.tanh %add3A_685 : vector<8x1024xf32>
    %convert_element_type3A_687 = arith.truncf %tanh3A_686 : vector<8x1024xf32> to vector<8x1024xbf16>
    %swap3A_688 = arith.constant 0 : index
    %swap3A_689 = arith.constant 44 : index
    %swap3A_690 = arith.constant 0 : index
    %swap3A_691 = vector.load %arg5[%swap3A_688, %swap3A_689, %swap3A_690] : memref<8x64x1024xbf16, #tpu.memory_space<vmem>>, vector<8x1x1024xbf16>
    %swap3A_692 = vector.shape_cast %swap3A_691 : vector<8x1x1024xbf16> to vector<8x1024xbf16>
    %swap3A_693 = vector.shape_cast %convert_element_type3A_687 : vector<8x1024xbf16> to vector<8x1x1024xbf16>
    tpu.vector_store %arg5[%swap3A_688, %swap3A_689, %swap3A_690], %swap3A_693 {strides = array<i32>} : memref<8x64x1024xbf16, #tpu.memory_space<vmem>>, vector<8x1x1024xbf16>,
    %convert_element_type3A_694 = arith.truncf %tanh3A_686 : vector<8x1024xf32> to vector<8x1024xbf16>
    %dot_general3A_695 = arith.constant dense<0.000000e+00> : vector<8x1024xf32>
    %dot_general3A_696 = tpu.matmul %convert_element_type3A_694, %get3A_16, %dot_general3A_695 {dimension_numbers = #tpu.dot_dimension_numbers<[1], [0], [0], [1], [0, 0, 1, 1], [], []>, transpose_lhs_hint = false} : vector<8x1024xbf16>, vector<1024x1024xbf16>, vector<8x1024xf32> -> vector<8x1024xf32>
    %get3A_697 = arith.constant 360 : index
    %get3A_698 = arith.constant 0 : index
    %get3A_699 = vector.load %arg7[%get3A_697, %get3A_698] : memref<512x1024xf32, #tpu.memory_space<vmem>>, vector<8x1024xf32>
    %add3A_700 = arith.addf %get3A_699, %dot_general3A_696 : vector<8x1024xf32>
    %tanh3A_701 = math.tanh %add3A_700 : vector<8x1024xf32>
    %convert_element_type3A_702 = arith.truncf %tanh3A_701 : vector<8x1024xf32> to vector<8x1024xbf16>
    %swap3A_703 = arith.constant 0 : index
    %swap3A_704 = arith.constant 45 : index
    %swap3A_705 = arith.constant 0 : index
    %swap3A_706 = vector.load %arg5[%swap3A_703, %swap3A_704, %swap3A_705] : memref<8x64x1024xbf16, #tpu.memory_space<vmem>>, vector<8x1x1024xbf16>
    %swap3A_707 = vector.shape_cast %swap3A_706 : vector<8x1x1024xbf16> to vector<8x1024xbf16>
    %swap3A_708 = vector.shape_cast %convert_element_type3A_702 : vector<8x1024xbf16> to vector<8x1x1024xbf16>
    tpu.vector_store %arg5[%swap3A_703, %swap3A_704, %swap3A_705], %swap3A_708 {strides = array<i32>} : memref<8x64x1024xbf16, #tpu.memory_space<vmem>>, vector<8x1x1024xbf16>,
    %convert_element_type3A_709 = arith.truncf %tanh3A_701 : vector<8x1024xf32> to vector<8x1024xbf16>
    %dot_general3A_710 = arith.constant dense<0.000000e+00> : vector<8x1024xf32>
    %dot_general3A_711 = tpu.matmul %convert_element_type3A_709, %get3A_16, %dot_general3A_710 {dimension_numbers = #tpu.dot_dimension_numbers<[1], [0], [0], [1], [0, 0, 1, 1], [], []>, transpose_lhs_hint = false} : vector<8x1024xbf16>, vector<1024x1024xbf16>, vector<8x1024xf32> -> vector<8x1024xf32>
    %get3A_712 = arith.constant 368 : index
    %get3A_713 = arith.constant 0 : index
    %get3A_714 = vector.load %arg7[%get3A_712, %get3A_713] : memref<512x1024xf32, #tpu.memory_space<vmem>>, vector<8x1024xf32>
    %add3A_715 = arith.addf %get3A_714, %dot_general3A_711 : vector<8x1024xf32>
    %tanh3A_716 = math.tanh %add3A_715 : vector<8x1024xf32>
    %convert_element_type3A_717 = arith.truncf %tanh3A_716 : vector<8x1024xf32> to vector<8x1024xbf16>
    %swap3A_718 = arith.constant 0 : index
    %swap3A_719 = arith.constant 46 : index
    %swap3A_720 = arith.constant 0 : index
    %swap3A_721 = vector.load %arg5[%swap3A_718, %swap3A_719, %swap3A_720] : memref<8x64x1024xbf16, #tpu.memory_space<vmem>>, vector<8x1x1024xbf16>
    %swap3A_722 = vector.shape_cast %swap3A_721 : vector<8x1x1024xbf16> to vector<8x1024xbf16>
    %swap3A_723 = vector.shape_cast %convert_element_type3A_717 : vector<8x1024xbf16> to vector<8x1x1024xbf16>
    tpu.vector_store %arg5[%swap3A_718, %swap3A_719, %swap3A_720], %swap3A_723 {strides = array<i32>} : memref<8x64x1024xbf16, #tpu.memory_space<vmem>>, vector<8x1x1024xbf16>,
    %convert_element_type3A_724 = arith.truncf %tanh3A_716 : vector<8x1024xf32> to vector<8x1024xbf16>
    %dot_general3A_725 = arith.constant dense<0.000000e+00> : vector<8x1024xf32>
    %dot_general3A_726 = tpu.matmul %convert_element_type3A_724, %get3A_16, %dot_general3A_725 {dimension_numbers = #tpu.dot_dimension_numbers<[1], [0], [0], [1], [0, 0, 1, 1], [], []>, transpose_lhs_hint = false} : vector<8x1024xbf16>, vector<1024x1024xbf16>, vector<8x1024xf32> -> vector<8x1024xf32>
    %get3A_727 = arith.constant 376 : index
    %get3A_728 = arith.constant 0 : index
    %get3A_729 = vector.load %arg7[%get3A_727, %get3A_728] : memref<512x1024xf32, #tpu.memory_space<vmem>>, vector<8x1024xf32>
    %add3A_730 = arith.addf %get3A_729, %dot_general3A_726 : vector<8x1024xf32>
    %tanh3A_731 = math.tanh %add3A_730 : vector<8x1024xf32>
    %convert_element_type3A_732 = arith.truncf %tanh3A_731 : vector<8x1024xf32> to vector<8x1024xbf16>
    %swap3A_733 = arith.constant 0 : index
    %swap3A_734 = arith.constant 47 : index
    %swap3A_735 = arith.constant 0 : index
    %swap3A_736 = vector.load %arg5[%swap3A_733, %swap3A_734, %swap3A_735] : memref<8x64x1024xbf16, #tpu.memory_space<vmem>>, vector<8x1x1024xbf16>
    %swap3A_737 = vector.shape_cast %swap3A_736 : vector<8x1x1024xbf16> to vector<8x1024xbf16>
    %swap3A_738 = vector.shape_cast %convert_element_type3A_732 : vector<8x1024xbf16> to vector<8x1x1024xbf16>
    tpu.vector_store %arg5[%swap3A_733, %swap3A_734, %swap3A_735], %swap3A_738 {strides = array<i32>} : memref<8x64x1024xbf16, #tpu.memory_space<vmem>>, vector<8x1x1024xbf16>,
    %convert_element_type3A_739 = arith.truncf %tanh3A_731 : vector<8x1024xf32> to vector<8x1024xbf16>
    %dot_general3A_740 = arith.constant dense<0.000000e+00> : vector<8x1024xf32>
    %dot_general3A_741 = tpu.matmul %convert_element_type3A_739, %get3A_16, %dot_general3A_740 {dimension_numbers = #tpu.dot_dimension_numbers<[1], [0], [0], [1], [0, 0, 1, 1], [], []>, transpose_lhs_hint = false} : vector<8x1024xbf16>, vector<1024x1024xbf16>, vector<8x1024xf32> -> vector<8x1024xf32>
    %get3A_742 = arith.constant 384 : index
    %get3A_743 = arith.constant 0 : index
    %get3A_744 = vector.load %arg7[%get3A_742, %get3A_743] : memref<512x1024xf32, #tpu.memory_space<vmem>>, vector<8x1024xf32>
    %add3A_745 = arith.addf %get3A_744, %dot_general3A_741 : vector<8x1024xf32>
    %tanh3A_746 = math.tanh %add3A_745 : vector<8x1024xf32>
    %convert_element_type3A_747 = arith.truncf %tanh3A_746 : vector<8x1024xf32> to vector<8x1024xbf16>
    %swap3A_748 = arith.constant 0 : index
    %swap3A_749 = arith.constant 48 : index
    %swap3A_750 = arith.constant 0 : index
    %swap3A_751 = vector.load %arg5[%swap3A_748, %swap3A_749, %swap3A_750] : memref<8x64x1024xbf16, #tpu.memory_space<vmem>>, vector<8x1x1024xbf16>
    %swap3A_752 = vector.shape_cast %swap3A_751 : vector<8x1x1024xbf16> to vector<8x1024xbf16>
    %swap3A_753 = vector.shape_cast %convert_element_type3A_747 : vector<8x1024xbf16> to vector<8x1x1024xbf16>
    tpu.vector_store %arg5[%swap3A_748, %swap3A_749, %swap3A_750], %swap3A_753 {strides = array<i32>} : memref<8x64x1024xbf16, #tpu.memory_space<vmem>>, vector<8x1x1024xbf16>,
    %convert_element_type3A_754 = arith.truncf %tanh3A_746 : vector<8x1024xf32> to vector<8x1024xbf16>
    %dot_general3A_755 = arith.constant dense<0.000000e+00> : vector<8x1024xf32>
    %dot_general3A_756 = tpu.matmul %convert_element_type3A_754, %get3A_16, %dot_general3A_755 {dimension_numbers = #tpu.dot_dimension_numbers<[1], [0], [0], [1], [0, 0, 1, 1], [], []>, transpose_lhs_hint = false} : vector<8x1024xbf16>, vector<1024x1024xbf16>, vector<8x1024xf32> -> vector<8x1024xf32>
    %get3A_757 = arith.constant 392 : index
    %get3A_758 = arith.constant 0 : index
    %get3A_759 = vector.load %arg7[%get3A_757, %get3A_758] : memref<512x1024xf32, #tpu.memory_space<vmem>>, vector<8x1024xf32>
    %add3A_760 = arith.addf %get3A_759, %dot_general3A_756 : vector<8x1024xf32>
    %tanh3A_761 = math.tanh %add3A_760 : vector<8x1024xf32>
    %convert_element_type3A_762 = arith.truncf %tanh3A_761 : vector<8x1024xf32> to vector<8x1024xbf16>
    %swap3A_763 = arith.constant 0 : index
    %swap3A_764 = arith.constant 49 : index
    %swap3A_765 = arith.constant 0 : index
    %swap3A_766 = vector.load %arg5[%swap3A_763, %swap3A_764, %swap3A_765] : memref<8x64x1024xbf16, #tpu.memory_space<vmem>>, vector<8x1x1024xbf16>
    %swap3A_767 = vector.shape_cast %swap3A_766 : vector<8x1x1024xbf16> to vector<8x1024xbf16>
    %swap3A_768 = vector.shape_cast %convert_element_type3A_762 : vector<8x1024xbf16> to vector<8x1x1024xbf16>
    tpu.vector_store %arg5[%swap3A_763, %swap3A_764, %swap3A_765], %swap3A_768 {strides = array<i32>} : memref<8x64x1024xbf16, #tpu.memory_space<vmem>>, vector<8x1x1024xbf16>,
    %convert_element_type3A_769 = arith.truncf %tanh3A_761 : vector<8x1024xf32> to vector<8x1024xbf16>
    %dot_general3A_770 = arith.constant dense<0.000000e+00> : vector<8x1024xf32>
    %dot_general3A_771 = tpu.matmul %convert_element_type3A_769, %get3A_16, %dot_general3A_770 {dimension_numbers = #tpu.dot_dimension_numbers<[1], [0], [0], [1], [0, 0, 1, 1], [], []>, transpose_lhs_hint = false} : vector<8x1024xbf16>, vector<1024x1024xbf16>, vector<8x1024xf32> -> vector<8x1024xf32>
    %get3A_772 = arith.constant 400 : index
    %get3A_773 = arith.constant 0 : index
    %get3A_774 = vector.load %arg7[%get3A_772, %get3A_773] : memref<512x1024xf32, #tpu.memory_space<vmem>>, vector<8x1024xf32>
    %add3A_775 = arith.addf %get3A_774, %dot_general3A_771 : vector<8x1024xf32>
    %tanh3A_776 = math.tanh %add3A_775 : vector<8x1024xf32>
    %convert_element_type3A_777 = arith.truncf %tanh3A_776 : vector<8x1024xf32> to vector<8x1024xbf16>
    %swap3A_778 = arith.constant 0 : index
    %swap3A_779 = arith.constant 50 : index
    %swap3A_780 = arith.constant 0 : index
    %swap3A_781 = vector.load %arg5[%swap3A_778, %swap3A_779, %swap3A_780] : memref<8x64x1024xbf16, #tpu.memory_space<vmem>>, vector<8x1x1024xbf16>
    %swap3A_782 = vector.shape_cast %swap3A_781 : vector<8x1x1024xbf16> to vector<8x1024xbf16>
    %swap3A_783 = vector.shape_cast %convert_element_type3A_777 : vector<8x1024xbf16> to vector<8x1x1024xbf16>
    tpu.vector_store %arg5[%swap3A_778, %swap3A_779, %swap3A_780], %swap3A_783 {strides = array<i32>} : memref<8x64x1024xbf16, #tpu.memory_space<vmem>>, vector<8x1x1024xbf16>,
    %convert_element_type3A_784 = arith.truncf %tanh3A_776 : vector<8x1024xf32> to vector<8x1024xbf16>
    %dot_general3A_785 = arith.constant dense<0.000000e+00> : vector<8x1024xf32>
    %dot_general3A_786 = tpu.matmul %convert_element_type3A_784, %get3A_16, %dot_general3A_785 {dimension_numbers = #tpu.dot_dimension_numbers<[1], [0], [0], [1], [0, 0, 1, 1], [], []>, transpose_lhs_hint = false} : vector<8x1024xbf16>, vector<1024x1024xbf16>, vector<8x1024xf32> -> vector<8x1024xf32>
    %get3A_787 = arith.constant 408 : index
    %get3A_788 = arith.constant 0 : index
    %get3A_789 = vector.load %arg7[%get3A_787, %get3A_788] : memref<512x1024xf32, #tpu.memory_space<vmem>>, vector<8x1024xf32>
    %add3A_790 = arith.addf %get3A_789, %dot_general3A_786 : vector<8x1024xf32>
    %tanh3A_791 = math.tanh %add3A_790 : vector<8x1024xf32>
    %convert_element_type3A_792 = arith.truncf %tanh3A_791 : vector<8x1024xf32> to vector<8x1024xbf16>
    %swap3A_793 = arith.constant 0 : index
    %swap3A_794 = arith.constant 51 : index
    %swap3A_795 = arith.constant 0 : index
    %swap3A_796 = vector.load %arg5[%swap3A_793, %swap3A_794, %swap3A_795] : memref<8x64x1024xbf16, #tpu.memory_space<vmem>>, vector<8x1x1024xbf16>
    %swap3A_797 = vector.shape_cast %swap3A_796 : vector<8x1x1024xbf16> to vector<8x1024xbf16>
    %swap3A_798 = vector.shape_cast %convert_element_type3A_792 : vector<8x1024xbf16> to vector<8x1x1024xbf16>
    tpu.vector_store %arg5[%swap3A_793, %swap3A_794, %swap3A_795], %swap3A_798 {strides = array<i32>} : memref<8x64x1024xbf16, #tpu.memory_space<vmem>>, vector<8x1x1024xbf16>,
    %convert_element_type3A_799 = arith.truncf %tanh3A_791 : vector<8x1024xf32> to vector<8x1024xbf16>
    %dot_general3A_800 = arith.constant dense<0.000000e+00> : vector<8x1024xf32>
    %dot_general3A_801 = tpu.matmul %convert_element_type3A_799, %get3A_16, %dot_general3A_800 {dimension_numbers = #tpu.dot_dimension_numbers<[1], [0], [0], [1], [0, 0, 1, 1], [], []>, transpose_lhs_hint = false} : vector<8x1024xbf16>, vector<1024x1024xbf16>, vector<8x1024xf32> -> vector<8x1024xf32>
    %get3A_802 = arith.constant 416 : index
    %get3A_803 = arith.constant 0 : index
    %get3A_804 = vector.load %arg7[%get3A_802, %get3A_803] : memref<512x1024xf32, #tpu.memory_space<vmem>>, vector<8x1024xf32>
    %add3A_805 = arith.addf %get3A_804, %dot_general3A_801 : vector<8x1024xf32>
    %tanh3A_806 = math.tanh %add3A_805 : vector<8x1024xf32>
    %convert_element_type3A_807 = arith.truncf %tanh3A_806 : vector<8x1024xf32> to vector<8x1024xbf16>
    %swap3A_808 = arith.constant 0 : index
    %swap3A_809 = arith.constant 52 : index
    %swap3A_810 = arith.constant 0 : index
    %swap3A_811 = vector.load %arg5[%swap3A_808, %swap3A_809, %swap3A_810] : memref<8x64x1024xbf16, #tpu.memory_space<vmem>>, vector<8x1x1024xbf16>
    %swap3A_812 = vector.shape_cast %swap3A_811 : vector<8x1x1024xbf16> to vector<8x1024xbf16>
    %swap3A_813 = vector.shape_cast %convert_element_type3A_807 : vector<8x1024xbf16> to vector<8x1x1024xbf16>
    tpu.vector_store %arg5[%swap3A_808, %swap3A_809, %swap3A_810], %swap3A_813 {strides = array<i32>} : memref<8x64x1024xbf16, #tpu.memory_space<vmem>>, vector<8x1x1024xbf16>,
    %convert_element_type3A_814 = arith.truncf %tanh3A_806 : vector<8x1024xf32> to vector<8x1024xbf16>
    %dot_general3A_815 = arith.constant dense<0.000000e+00> : vector<8x1024xf32>
    %dot_general3A_816 = tpu.matmul %convert_element_type3A_814, %get3A_16, %dot_general3A_815 {dimension_numbers = #tpu.dot_dimension_numbers<[1], [0], [0], [1], [0, 0, 1, 1], [], []>, transpose_lhs_hint = false} : vector<8x1024xbf16>, vector<1024x1024xbf16>, vector<8x1024xf32> -> vector<8x1024xf32>
    %get3A_817 = arith.constant 424 : index
    %get3A_818 = arith.constant 0 : index
    %get3A_819 = vector.load %arg7[%get3A_817, %get3A_818] : memref<512x1024xf32, #tpu.memory_space<vmem>>, vector<8x1024xf32>
    %add3A_820 = arith.addf %get3A_819, %dot_general3A_816 : vector<8x1024xf32>
    %tanh3A_821 = math.tanh %add3A_820 : vector<8x1024xf32>
    %convert_element_type3A_822 = arith.truncf %tanh3A_821 : vector<8x1024xf32> to vector<8x1024xbf16>
    %swap3A_823 = arith.constant 0 : index
    %swap3A_824 = arith.constant 53 : index
    %swap3A_825 = arith.constant 0 : index
    %swap3A_826 = vector.load %arg5[%swap3A_823, %swap3A_824, %swap3A_825] : memref<8x64x1024xbf16, #tpu.memory_space<vmem>>, vector<8x1x1024xbf16>
    %swap3A_827 = vector.shape_cast %swap3A_826 : vector<8x1x1024xbf16> to vector<8x1024xbf16>
    %swap3A_828 = vector.shape_cast %convert_element_type3A_822 : vector<8x1024xbf16> to vector<8x1x1024xbf16>
    tpu.vector_store %arg5[%swap3A_823, %swap3A_824, %swap3A_825], %swap3A_828 {strides = array<i32>} : memref<8x64x1024xbf16, #tpu.memory_space<vmem>>, vector<8x1x1024xbf16>,
    %convert_element_type3A_829 = arith.truncf %tanh3A_821 : vector<8x1024xf32> to vector<8x1024xbf16>
    %dot_general3A_830 = arith.constant dense<0.000000e+00> : vector<8x1024xf32>
    %dot_general3A_831 = tpu.matmul %convert_element_type3A_829, %get3A_16, %dot_general3A_830 {dimension_numbers = #tpu.dot_dimension_numbers<[1], [0], [0], [1], [0, 0, 1, 1], [], []>, transpose_lhs_hint = false} : vector<8x1024xbf16>, vector<1024x1024xbf16>, vector<8x1024xf32> -> vector<8x1024xf32>
    %get3A_832 = arith.constant 432 : index
    %get3A_833 = arith.constant 0 : index
    %get3A_834 = vector.load %arg7[%get3A_832, %get3A_833] : memref<512x1024xf32, #tpu.memory_space<vmem>>, vector<8x1024xf32>
    %add3A_835 = arith.addf %get3A_834, %dot_general3A_831 : vector<8x1024xf32>
    %tanh3A_836 = math.tanh %add3A_835 : vector<8x1024xf32>
    %convert_element_type3A_837 = arith.truncf %tanh3A_836 : vector<8x1024xf32> to vector<8x1024xbf16>
    %swap3A_838 = arith.constant 0 : index
    %swap3A_839 = arith.constant 54 : index
    %swap3A_840 = arith.constant 0 : index
    %swap3A_841 = vector.load %arg5[%swap3A_838, %swap3A_839, %swap3A_840] : memref<8x64x1024xbf16, #tpu.memory_space<vmem>>, vector<8x1x1024xbf16>
    %swap3A_842 = vector.shape_cast %swap3A_841 : vector<8x1x1024xbf16> to vector<8x1024xbf16>
    %swap3A_843 = vector.shape_cast %convert_element_type3A_837 : vector<8x1024xbf16> to vector<8x1x1024xbf16>
    tpu.vector_store %arg5[%swap3A_838, %swap3A_839, %swap3A_840], %swap3A_843 {strides = array<i32>} : memref<8x64x1024xbf16, #tpu.memory_space<vmem>>, vector<8x1x1024xbf16>,
    %convert_element_type3A_844 = arith.truncf %tanh3A_836 : vector<8x1024xf32> to vector<8x1024xbf16>
    %dot_general3A_845 = arith.constant dense<0.000000e+00> : vector<8x1024xf32>
    %dot_general3A_846 = tpu.matmul %convert_element_type3A_844, %get3A_16, %dot_general3A_845 {dimension_numbers = #tpu.dot_dimension_numbers<[1], [0], [0], [1], [0, 0, 1, 1], [], []>, transpose_lhs_hint = false} : vector<8x1024xbf16>, vector<1024x1024xbf16>, vector<8x1024xf32> -> vector<8x1024xf32>
    %get3A_847 = arith.constant 440 : index
    %get3A_848 = arith.constant 0 : index
    %get3A_849 = vector.load %arg7[%get3A_847, %get3A_848] : memref<512x1024xf32, #tpu.memory_space<vmem>>, vector<8x1024xf32>
    %add3A_850 = arith.addf %get3A_849, %dot_general3A_846 : vector<8x1024xf32>
    %tanh3A_851 = math.tanh %add3A_850 : vector<8x1024xf32>
    %convert_element_type3A_852 = arith.truncf %tanh3A_851 : vector<8x1024xf32> to vector<8x1024xbf16>
    %swap3A_853 = arith.constant 0 : index
    %swap3A_854 = arith.constant 55 : index
    %swap3A_855 = arith.constant 0 : index
    %swap3A_856 = vector.load %arg5[%swap3A_853, %swap3A_854, %swap3A_855] : memref<8x64x1024xbf16, #tpu.memory_space<vmem>>, vector<8x1x1024xbf16>
    %swap3A_857 = vector.shape_cast %swap3A_856 : vector<8x1x1024xbf16> to vector<8x1024xbf16>
    %swap3A_858 = vector.shape_cast %convert_element_type3A_852 : vector<8x1024xbf16> to vector<8x1x1024xbf16>
    tpu.vector_store %arg5[%swap3A_853, %swap3A_854, %swap3A_855], %swap3A_858 {strides = array<i32>} : memref<8x64x1024xbf16, #tpu.memory_space<vmem>>, vector<8x1x1024xbf16>,
    %convert_element_type3A_859 = arith.truncf %tanh3A_851 : vector<8x1024xf32> to vector<8x1024xbf16>
    %dot_general3A_860 = arith.constant dense<0.000000e+00> : vector<8x1024xf32>
    %dot_general3A_861 = tpu.matmul %convert_element_type3A_859, %get3A_16, %dot_general3A_860 {dimension_numbers = #tpu.dot_dimension_numbers<[1], [0], [0], [1], [0, 0, 1, 1], [], []>, transpose_lhs_hint = false} : vector<8x1024xbf16>, vector<1024x1024xbf16>, vector<8x1024xf32> -> vector<8x1024xf32>
    %get3A_862 = arith.constant 448 : index
    %get3A_863 = arith.constant 0 : index
    %get3A_864 = vector.load %arg7[%get3A_862, %get3A_863] : memref<512x1024xf32, #tpu.memory_space<vmem>>, vector<8x1024xf32>
    %add3A_865 = arith.addf %get3A_864, %dot_general3A_861 : vector<8x1024xf32>
    %tanh3A_866 = math.tanh %add3A_865 : vector<8x1024xf32>
    %convert_element_type3A_867 = arith.truncf %tanh3A_866 : vector<8x1024xf32> to vector<8x1024xbf16>
    %swap3A_868 = arith.constant 0 : index
    %swap3A_869 = arith.constant 56 : index
    %swap3A_870 = arith.constant 0 : index
    %swap3A_871 = vector.load %arg5[%swap3A_868, %swap3A_869, %swap3A_870] : memref<8x64x1024xbf16, #tpu.memory_space<vmem>>, vector<8x1x1024xbf16>
    %swap3A_872 = vector.shape_cast %swap3A_871 : vector<8x1x1024xbf16> to vector<8x1024xbf16>
    %swap3A_873 = vector.shape_cast %convert_element_type3A_867 : vector<8x1024xbf16> to vector<8x1x1024xbf16>
    tpu.vector_store %arg5[%swap3A_868, %swap3A_869, %swap3A_870], %swap3A_873 {strides = array<i32>} : memref<8x64x1024xbf16, #tpu.memory_space<vmem>>, vector<8x1x1024xbf16>,
    %convert_element_type3A_874 = arith.truncf %tanh3A_866 : vector<8x1024xf32> to vector<8x1024xbf16>
    %dot_general3A_875 = arith.constant dense<0.000000e+00> : vector<8x1024xf32>
    %dot_general3A_876 = tpu.matmul %convert_element_type3A_874, %get3A_16, %dot_general3A_875 {dimension_numbers = #tpu.dot_dimension_numbers<[1], [0], [0], [1], [0, 0, 1, 1], [], []>, transpose_lhs_hint = false} : vector<8x1024xbf16>, vector<1024x1024xbf16>, vector<8x1024xf32> -> vector<8x1024xf32>
    %get3A_877 = arith.constant 456 : index
    %get3A_878 = arith.constant 0 : index
    %get3A_879 = vector.load %arg7[%get3A_877, %get3A_878] : memref<512x1024xf32, #tpu.memory_space<vmem>>, vector<8x1024xf32>
    %add3A_880 = arith.addf %get3A_879, %dot_general3A_876 : vector<8x1024xf32>
    %tanh3A_881 = math.tanh %add3A_880 : vector<8x1024xf32>
    %convert_element_type3A_882 = arith.truncf %tanh3A_881 : vector<8x1024xf32> to vector<8x1024xbf16>
    %swap3A_883 = arith.constant 0 : index
    %swap3A_884 = arith.constant 57 : index
    %swap3A_885 = arith.constant 0 : index
    %swap3A_886 = vector.load %arg5[%swap3A_883, %swap3A_884, %swap3A_885] : memref<8x64x1024xbf16, #tpu.memory_space<vmem>>, vector<8x1x1024xbf16>
    %swap3A_887 = vector.shape_cast %swap3A_886 : vector<8x1x1024xbf16> to vector<8x1024xbf16>
    %swap3A_888 = vector.shape_cast %convert_element_type3A_882 : vector<8x1024xbf16> to vector<8x1x1024xbf16>
    tpu.vector_store %arg5[%swap3A_883, %swap3A_884, %swap3A_885], %swap3A_888 {strides = array<i32>} : memref<8x64x1024xbf16, #tpu.memory_space<vmem>>, vector<8x1x1024xbf16>,
    %convert_element_type3A_889 = arith.truncf %tanh3A_881 : vector<8x1024xf32> to vector<8x1024xbf16>
    %dot_general3A_890 = arith.constant dense<0.000000e+00> : vector<8x1024xf32>
    %dot_general3A_891 = tpu.matmul %convert_element_type3A_889, %get3A_16, %dot_general3A_890 {dimension_numbers = #tpu.dot_dimension_numbers<[1], [0], [0], [1], [0, 0, 1, 1], [], []>, transpose_lhs_hint = false} : vector<8x1024xbf16>, vector<1024x1024xbf16>, vector<8x1024xf32> -> vector<8x1024xf32>
    %get3A_892 = arith.constant 464 : index
    %get3A_893 = arith.constant 0 : index
    %get3A_894 = vector.load %arg7[%get3A_892, %get3A_893] : memref<512x1024xf32, #tpu.memory_space<vmem>>, vector<8x1024xf32>
    %add3A_895 = arith.addf %get3A_894, %dot_general3A_891 : vector<8x1024xf32>
    %tanh3A_896 = math.tanh %add3A_895 : vector<8x1024xf32>
    %convert_element_type3A_897 = arith.truncf %tanh3A_896 : vector<8x1024xf32> to vector<8x1024xbf16>
    %swap3A_898 = arith.constant 0 : index
    %swap3A_899 = arith.constant 58 : index
    %swap3A_900 = arith.constant 0 : index
    %swap3A_901 = vector.load %arg5[%swap3A_898, %swap3A_899, %swap3A_900] : memref<8x64x1024xbf16, #tpu.memory_space<vmem>>, vector<8x1x1024xbf16>
    %swap3A_902 = vector.shape_cast %swap3A_901 : vector<8x1x1024xbf16> to vector<8x1024xbf16>
    %swap3A_903 = vector.shape_cast %convert_element_type3A_897 : vector<8x1024xbf16> to vector<8x1x1024xbf16>
    tpu.vector_store %arg5[%swap3A_898, %swap3A_899, %swap3A_900], %swap3A_903 {strides = array<i32>} : memref<8x64x1024xbf16, #tpu.memory_space<vmem>>, vector<8x1x1024xbf16>,
    %convert_element_type3A_904 = arith.truncf %tanh3A_896 : vector<8x1024xf32> to vector<8x1024xbf16>
    %dot_general3A_905 = arith.constant dense<0.000000e+00> : vector<8x1024xf32>
    %dot_general3A_906 = tpu.matmul %convert_element_type3A_904, %get3A_16, %dot_general3A_905 {dimension_numbers = #tpu.dot_dimension_numbers<[1], [0], [0], [1], [0, 0, 1, 1], [], []>, transpose_lhs_hint = false} : vector<8x1024xbf16>, vector<1024x1024xbf16>, vector<8x1024xf32> -> vector<8x1024xf32>
    %get3A_907 = arith.constant 472 : index
    %get3A_908 = arith.constant 0 : index
    %get3A_909 = vector.load %arg7[%get3A_907, %get3A_908] : memref<512x1024xf32, #tpu.memory_space<vmem>>, vector<8x1024xf32>
    %add3A_910 = arith.addf %get3A_909, %dot_general3A_906 : vector<8x1024xf32>
    %tanh3A_911 = math.tanh %add3A_910 : vector<8x1024xf32>
    %convert_element_type3A_912 = arith.truncf %tanh3A_911 : vector<8x1024xf32> to vector<8x1024xbf16>
    %swap3A_913 = arith.constant 0 : index
    %swap3A_914 = arith.constant 59 : index
    %swap3A_915 = arith.constant 0 : index
    %swap3A_916 = vector.load %arg5[%swap3A_913, %swap3A_914, %swap3A_915] : memref<8x64x1024xbf16, #tpu.memory_space<vmem>>, vector<8x1x1024xbf16>
    %swap3A_917 = vector.shape_cast %swap3A_916 : vector<8x1x1024xbf16> to vector<8x1024xbf16>
    %swap3A_918 = vector.shape_cast %convert_element_type3A_912 : vector<8x1024xbf16> to vector<8x1x1024xbf16>
    tpu.vector_store %arg5[%swap3A_913, %swap3A_914, %swap3A_915], %swap3A_918 {strides = array<i32>} : memref<8x64x1024xbf16, #tpu.memory_space<vmem>>, vector<8x1x1024xbf16>,
    %convert_element_type3A_919 = arith.truncf %tanh3A_911 : vector<8x1024xf32> to vector<8x1024xbf16>
    %dot_general3A_920 = arith.constant dense<0.000000e+00> : vector<8x1024xf32>
    %dot_general3A_921 = tpu.matmul %convert_element_type3A_919, %get3A_16, %dot_general3A_920 {dimension_numbers = #tpu.dot_dimension_numbers<[1], [0], [0], [1], [0, 0, 1, 1], [], []>, transpose_lhs_hint = false} : vector<8x1024xbf16>, vector<1024x1024xbf16>, vector<8x1024xf32> -> vector<8x1024xf32>
    %get3A_922 = arith.constant 480 : index
    %get3A_923 = arith.constant 0 : index
    %get3A_924 = vector.load %arg7[%get3A_922, %get3A_923] : memref<512x1024xf32, #tpu.memory_space<vmem>>, vector<8x1024xf32>
    %add3A_925 = arith.addf %get3A_924, %dot_general3A_921 : vector<8x1024xf32>
    %tanh3A_926 = math.tanh %add3A_925 : vector<8x1024xf32>
    %convert_element_type3A_927 = arith.truncf %tanh3A_926 : vector<8x1024xf32> to vector<8x1024xbf16>
    %swap3A_928 = arith.constant 0 : index
    %swap3A_929 = arith.constant 60 : index
    %swap3A_930 = arith.constant 0 : index
    %swap3A_931 = vector.load %arg5[%swap3A_928, %swap3A_929, %swap3A_930] : memref<8x64x1024xbf16, #tpu.memory_space<vmem>>, vector<8x1x1024xbf16>
    %swap3A_932 = vector.shape_cast %swap3A_931 : vector<8x1x1024xbf16> to vector<8x1024xbf16>
    %swap3A_933 = vector.shape_cast %convert_element_type3A_927 : vector<8x1024xbf16> to vector<8x1x1024xbf16>
    tpu.vector_store %arg5[%swap3A_928, %swap3A_929, %swap3A_930], %swap3A_933 {strides = array<i32>} : memref<8x64x1024xbf16, #tpu.memory_space<vmem>>, vector<8x1x1024xbf16>,
    %convert_element_type3A_934 = arith.truncf %tanh3A_926 : vector<8x1024xf32> to vector<8x1024xbf16>
    %dot_general3A_935 = arith.constant dense<0.000000e+00> : vector<8x1024xf32>
    %dot_general3A_936 = tpu.matmul %convert_element_type3A_934, %get3A_16, %dot_general3A_935 {dimension_numbers = #tpu.dot_dimension_numbers<[1], [0], [0], [1], [0, 0, 1, 1], [], []>, transpose_lhs_hint = false} : vector<8x1024xbf16>, vector<1024x1024xbf16>, vector<8x1024xf32> -> vector<8x1024xf32>
    %get3A_937 = arith.constant 488 : index
    %get3A_938 = arith.constant 0 : index
    %get3A_939 = vector.load %arg7[%get3A_937, %get3A_938] : memref<512x1024xf32, #tpu.memory_space<vmem>>, vector<8x1024xf32>
    %add3A_940 = arith.addf %get3A_939, %dot_general3A_936 : vector<8x1024xf32>
    %tanh3A_941 = math.tanh %add3A_940 : vector<8x1024xf32>
    %convert_element_type3A_942 = arith.truncf %tanh3A_941 : vector<8x1024xf32> to vector<8x1024xbf16>
    %swap3A_943 = arith.constant 0 : index
    %swap3A_944 = arith.constant 61 : index
    %swap3A_945 = arith.constant 0 : index
    %swap3A_946 = vector.load %arg5[%swap3A_943, %swap3A_944, %swap3A_945] : memref<8x64x1024xbf16, #tpu.memory_space<vmem>>, vector<8x1x1024xbf16>
    %swap3A_947 = vector.shape_cast %swap3A_946 : vector<8x1x1024xbf16> to vector<8x1024xbf16>
    %swap3A_948 = vector.shape_cast %convert_element_type3A_942 : vector<8x1024xbf16> to vector<8x1x1024xbf16>
    tpu.vector_store %arg5[%swap3A_943, %swap3A_944, %swap3A_945], %swap3A_948 {strides = array<i32>} : memref<8x64x1024xbf16, #tpu.memory_space<vmem>>, vector<8x1x1024xbf16>,
    %convert_element_type3A_949 = arith.truncf %tanh3A_941 : vector<8x1024xf32> to vector<8x1024xbf16>
    %dot_general3A_950 = arith.constant dense<0.000000e+00> : vector<8x1024xf32>
    %dot_general3A_951 = tpu.matmul %convert_element_type3A_949, %get3A_16, %dot_general3A_950 {dimension_numbers = #tpu.dot_dimension_numbers<[1], [0], [0], [1], [0, 0, 1, 1], [], []>, transpose_lhs_hint = false} : vector<8x1024xbf16>, vector<1024x1024xbf16>, vector<8x1024xf32> -> vector<8x1024xf32>
    %get3A_952 = arith.constant 496 : index
    %get3A_953 = arith.constant 0 : index
    %get3A_954 = vector.load %arg7[%get3A_952, %get3A_953] : memref<512x1024xf32, #tpu.memory_space<vmem>>, vector<8x1024xf32>
    %add3A_955 = arith.addf %get3A_954, %dot_general3A_951 : vector<8x1024xf32>
    %tanh3A_956 = math.tanh %add3A_955 : vector<8x1024xf32>
    %convert_element_type3A_957 = arith.truncf %tanh3A_956 : vector<8x1024xf32> to vector<8x1024xbf16>
    %swap3A_958 = arith.constant 0 : index
    %swap3A_959 = arith.constant 62 : index
    %swap3A_960 = arith.constant 0 : index
    %swap3A_961 = vector.load %arg5[%swap3A_958, %swap3A_959, %swap3A_960] : memref<8x64x1024xbf16, #tpu.memory_space<vmem>>, vector<8x1x1024xbf16>
    %swap3A_962 = vector.shape_cast %swap3A_961 : vector<8x1x1024xbf16> to vector<8x1024xbf16>
    %swap3A_963 = vector.shape_cast %convert_element_type3A_957 : vector<8x1024xbf16> to vector<8x1x1024xbf16>
    tpu.vector_store %arg5[%swap3A_958, %swap3A_959, %swap3A_960], %swap3A_963 {strides = array<i32>} : memref<8x64x1024xbf16, #tpu.memory_space<vmem>>, vector<8x1x1024xbf16>,
    %convert_element_type3A_964 = arith.truncf %tanh3A_956 : vector<8x1024xf32> to vector<8x1024xbf16>
    %dot_general3A_965 = arith.constant dense<0.000000e+00> : vector<8x1024xf32>
    %dot_general3A_966 = tpu.matmul %convert_element_type3A_964, %get3A_16, %dot_general3A_965 {dimension_numbers = #tpu.dot_dimension_numbers<[1], [0], [0], [1], [0, 0, 1, 1], [], []>, transpose_lhs_hint = false} : vector<8x1024xbf16>, vector<1024x1024xbf16>, vector<8x1024xf32> -> vector<8x1024xf32>
    %get3A_967 = arith.constant 504 : index
    %get3A_968 = arith.constant 0 : index
    %get3A_969 = vector.load %arg7[%get3A_967, %get3A_968] : memref<512x1024xf32, #tpu.memory_space<vmem>>, vector<8x1024xf32>
    %add3A_970 = arith.addf %get3A_969, %dot_general3A_966 : vector<8x1024xf32>
    %tanh3A_971 = math.tanh %add3A_970 : vector<8x1024xf32>
    %convert_element_type3A_972 = arith.truncf %tanh3A_971 : vector<8x1024xf32> to vector<8x1024xbf16>
    %swap3A_973 = arith.constant 0 : index
    %swap3A_974 = arith.constant 63 : index
    %swap3A_975 = arith.constant 0 : index
    %swap3A_976 = vector.load %arg5[%swap3A_973, %swap3A_974, %swap3A_975] : memref<8x64x1024xbf16, #tpu.memory_space<vmem>>, vector<8x1x1024xbf16>
    %swap3A_977 = vector.shape_cast %swap3A_976 : vector<8x1x1024xbf16> to vector<8x1024xbf16>
    %swap3A_978 = vector.shape_cast %convert_element_type3A_972 : vector<8x1024xbf16> to vector<8x1x1024xbf16>
    tpu.vector_store %arg5[%swap3A_973, %swap3A_974, %swap3A_975], %swap3A_978 {strides = array<i32>} : memref<8x64x1024xbf16, #tpu.memory_space<vmem>>, vector<8x1x1024xbf16>,
    %swap3A_979 = arith.constant 0 : index
    %swap3A_980 = arith.constant 0 : index
    %swap3A_981 = vector.load %arg6[%swap3A_979, %swap3A_980] : memref<8x1024xf32, #tpu.memory_space<vmem>>, vector<8x1024xf32>
    tpu.vector_store %arg6[%swap3A_979, %swap3A_980], %tanh3A_971 {strides = array<i32>} : memref<8x1024xf32, #tpu.memory_space<vmem>>, vector<8x1024xf32>,
    return
  }
  func.func @transform_0(%arg0: i32) -> (i32, i32) {
    %c0_i32 = arith.constant 0 : i32
    %c0_i32_0 = arith.constant 0 : i32
    return %arg0, %c0_i32 : i32, i32
  }
  func.func @transform_1(%arg0: i32) -> (i32, i32) {
    %c0_i32 = arith.constant 0 : i32
    %c0_i32_0 = arith.constant 0 : i32
    %c0_i32_1 = arith.constant 0 : i32
    return %c0_i32, %c0_i32_0 : i32, i32
  }
  func.func @transform_2(%arg0: i32) -> (i32, i32) {
    %c0_i32 = arith.constant 0 : i32
    %c0_i32_0 = arith.constant 0 : i32
    %c0_i32_1 = arith.constant 0 : i32
    return %c0_i32, %c0_i32_0 : i32, i32
  }
  func.func @transform_3(%arg0: i32) -> (i32, i32) {
    %c0_i32 = arith.constant 0 : i32
    %c0_i32_0 = arith.constant 0 : i32
    %c0_i32_1 = arith.constant 0 : i32
    return %c0_i32, %c0_i32_0 : i32, i32
  }
  func.func @transform_4(%arg0: i32) -> (i32, i32, i32) {
    %c0_i32 = arith.constant 0 : i32
    %c0_i32_0 = arith.constant 0 : i32
    %c0_i32_1 = arith.constant 0 : i32
    return %c0_i32, %arg0, %c0_i32_0 : i32, i32, i32
  }
}

</mosaic_0001>

<sc_bundles>
// kernel: kernel.5.cloned.1.call-start
scs
__scs_entry_jumppad:
0x0: {  	(pc) =	sbr.rel $0x88, $3  }
0x1: {  	(tag) =	ssettag $0x0;
	lr =	simm.s32 $0x1  }
0x2: {  	[smem:$0x3F99] =	sst lr;
	_ =	strace $0xD0000000  }
0x3: {  	_ = 	snop  }
0x4: {  	_ = 	snop  }
0x5: {  	_ = 	snop  }
0x6: {  	_ = 	snop  }
0x7: {  	_ = 	snop  }
__scs_overlays_trampoline_lowered:
0x8: {  	[smem:$0x3FA8] =	sst s0  }
0x9: {  	[smem:$0x3FA9] =	sst s1  }
0xa: {  	[smem:$0x3FAA] =	sst s2  }
0xb: {  	[smem:$0x3FAB] =	sst s3  }
0xc: {  	[smem:$0x3FAC] =	sst s4  }
0xd: {  	[smem:$0x3FAD] =	sst s5  }
0xe: {  	[smem:$0x3FAE] =	sst s6  }
0xf: {  	[smem:$0x3FAF] =	sst s7  }
0x10: {  	[smem:$0x3FB0] =	sst s8  }
0x11: {  	[smem:$0x3FB1] =	sst s9;
	s0 =	simm.s32 @!p0 $0x0  }
0x12: {  	s1 =	sld [smem:$0x3F97];
	s0 =	simm.s32 @p0 $0x1  }
0x13: {  	[smem:$0x3FB2] =	sst s0;
	s0 =	simm.s32 @!p1 $0x0  }
0x14: {  	s2 =	sld [smem:$0x3F96];
	s0 =	simm.s32 @p1 $0x1  }
0x15: {  	[smem:$0x3FB3] =	sst s0;
	s0 =	simm.s32 @!p2 $0x0  }
0x16: {  	s3 =	sld [smem:$0x3FDB];
	s0 =	simm.s32 @p2 $0x1  }
0x17: {  	s4 =	simm.s32 $0x1BF5;
	[smem:$0x3FB5] =	sst s0  }
0x18: {  	s0 =	sld [smem:$0x3F98];
	_ =	swait.ge [sflag:s4], $0x0  }
0x19: {  	s7 =	sld [smem:$0x3F99]  }
0x1a: {  	s8 =	sadd.s32 $0xFFFFE003, lr  }
0x1b: {  	s9 =	sadd.s32 $0xFFFFFEF7, lr;
	s5 =	simm.s32 $0xFFFFFFFF;
	p2 =	slt.u32 s8, $0xFFFFF086  }
0x1c: {  	p1 =	slt.u32 s9, $0xF7A;
	s5 =	simm.s32 @!p2 $0x0  }
0x1d: {  	s5 =	simm.s32 @p1 $0x1;
	p0 =	seq.s32 s7, s2  }
0x1e: {  	s7 =	smul.u32 @!p0 $0xF7A, s2;
	p2 =	seq.s32 @!p0 s5, $0x0  }
0x1f: {  	s9 =	smul.u32 $0xF7A, s1;
	s8 =	simm.s32 @!p0 $0x1BF5;
	p2 =	por !p2, p0  }
0x20: {  	[sflag:s8] =	ssyncset.s32 @!p0 $0xFFFFF086;
	s6 =	sadd.s32 @!p0 s3, s7;
	s7 =	simm.s32 @!p0 $0x108  }
0x21: {  	s3 =	sadd.s32 s3, s9;
	s6 =	sadd.s32 @!p0 $0x88, s6;
	s7 =	simm.s32 @p2 $0x1082  }
0x22: {  	[simem:s7], [sflag:s8] =	dma.local @!p0 [hbm:s6], $0xF7A  }
0x23: {  	s9 =	sor.u32 $0xD0000000, s2;
	s6 =	simm.s32 $0x108;
	_ =	swait.ge @!p0 [sflag:s8], $0x0  }
0x24: {  	s3 =	sadd.s32 $0x88, s3;
	s6 =	simm.s32 @!p1 $0x1082;
	[sflag:s4] =	ssyncset.s32 $0xFFFFF086  }
0x25: {  	[simem:s6], [sflag:s4] =	dma.local [hbm:s3], $0xF7A  }
0x26: {  	[smem:$0x3F99] =	sst s1;
	(tag) =	ssettag s2;
	_ =	strace s9  }
0x27: {  	s1 =	sld [smem:$0x3FA9]  }
0x28: {  	s2 =	sld [smem:$0x3FAA]  }
0x29: {  	s4 =	sld [smem:$0x3FAC]  }
0x2a: {  	p0 =	seq.s32 s5, $0x0;
	s5 =	sld [smem:$0x3FAD]  }
0x2b: {  	s6 =	sld [smem:$0x3FAE]  }
0x2c: {  	s7 =	sld [smem:$0x3FAF]  }
0x2d: {  	s3 =	simm.s32 $0x108;
	s8 =	sld [smem:$0x3FB0]  }
0x2e: {  	s3 =	simm.s32 @!p0 $0x1082;
	s9 =	sld [smem:$0x3FB1]  }
0x2f: {  	lr =	sadd.s32 s0, s3;
	s0 =	sld [smem:$0x3FA8]  }
0x30: {  	s3 =	sld [smem:$0x3FAB]  }
0x31: {  	[smem:$0x3FB4] =	sst s10  }
0x32: {  	s10 =	sld [smem:$0x3FB2];
	_ =	sdelay $0x3  }
0x33: {  	p0 =	seq.s32 s10, $0x1;
	s10 =	sld [smem:$0x3FB4];
	_ =	sdelay $0x3  }
0x34: {  	[smem:$0x3FB4] =	sst s10  }
0x35: {  	s10 =	sld [smem:$0x3FB3];
	_ =	sdelay $0x3  }
0x36: {  	p1 =	seq.s32 s10, $0x1;
	s10 =	sld [smem:$0x3FB4];
	_ =	sdelay $0x3  }
0x37: {  	[smem:$0x3FB4] =	sst s10  }
0x38: {  	s10 =	sld [smem:$0x3FB5]  }
0x39: {  	_ = 	snop;
	(pc) =	sbr.ind lr, $3  }
0x3a: {  	_ = 	snop  }
0x3b: {  	_ = 	snop  }
0x3c: {  	p2 =	seq.s32 s10, $0x1;
	s10 =	sld [smem:$0x3FB4]  }
0x3d: {  	_ =	shalt  }
0x3e: {  	_ =	shalt  }
0x3f: {  	_ =	shalt  }
0x40: {  	_ =	shalt  }
0x41: {  	_ =	shalt  }
0x42: {  	_ =	shalt  }
0x43: {  	_ =	shalt  }
0x44: {  	_ =	shalt  }
0x45: {  	_ =	shalt  }
0x46: {  	_ =	shalt  }
0x47: {  	_ =	shalt  }
0x48: {  	_ =	shalt  }
0x49: {  	_ =	shalt  }
0x4a: {  	_ =	shalt  }
0x4b: {  	_ =	shalt  }
0x4c: {  	_ =	shalt  }
0x4d: {  	_ =	shalt  }
0x4e: {  	_ =	shalt  }
0x4f: {  	_ =	shalt  }
0x50: {  	_ =	shalt  }
0x51: {  	_ =	shalt  }
0x52: {  	_ =	shalt  }
0x53: {  	_ =	shalt  }
0x54: {  	_ =	shalt  }
0x55: {  	_ =	shalt  }
0x56: {  	_ =	shalt  }
0x57: {  	_ =	shalt  }
0x58: {  	_ =	shalt  }
0x59: {  	_ =	shalt  }
0x5a: {  	_ =	shalt  }
0x5b: {  	_ =	shalt  }
0x5c: {  	_ =	shalt  }
0x5d: {  	_ =	shalt  }
0x5e: {  	_ =	shalt  }
0x5f: {  	_ =	shalt  }
0x60: {  	_ =	shalt  }
0x61: {  	_ =	shalt  }
0x62: {  	_ =	shalt  }
0x63: {  	_ =	shalt  }
0x64: {  	_ =	shalt  }
0x65: {  	_ =	shalt  }
0x66: {  	_ =	shalt  }
0x67: {  	_ =	shalt  }
0x68: {  	_ =	shalt  }
0x69: {  	_ =	shalt  }
0x6a: {  	_ =	shalt  }
0x6b: {  	_ =	shalt  }
0x6c: {  	_ =	shalt  }
0x6d: {  	_ =	shalt  }
0x6e: {  	_ =	shalt  }
0x6f: {  	_ =	shalt  }
0x70: {  	_ =	shalt  }
0x71: {  	_ =	shalt  }
0x72: {  	_ =	shalt  }
0x73: {  	_ =	shalt  }
0x74: {  	_ =	shalt  }
0x75: {  	_ =	shalt  }
0x76: {  	_ =	shalt  }
0x77: {  	_ =	shalt  }
0x78: {  	_ =	shalt  }
0x79: {  	_ =	shalt  }
0x7a: {  	_ =	shalt  }
0x7b: {  	_ =	shalt  }
0x7c: {  	_ =	shalt  }
0x7d: {  	_ =	shalt  }
0x7e: {  	_ =	shalt  }
0x7f: {  	_ =	shalt  }
0x80: {  	_ =	shalt  }
0x81: {  	_ =	shalt  }
0x82: {  	_ =	shalt  }
0x83: {  	_ =	shalt  }
0x84: {  	_ =	shalt  }
0x85: {  	_ =	shalt  }
0x86: {  	_ =	shalt  }
0x87: {  	_ =	shalt  }
.Lfunc_end0:
.L_simem_size_0:
called_computation_lowered:
.L_overlay_start_0:
0x88: {  	s2 =	sld [smem:$0x3FD9]  }
0x89: {  	s3 =	sld [smem:$0x3FFE];
	_ =	sdelay $0x1  }
0x8a: {  	s1 =	srdreg.scid  }
0x8b: {  	s0 =	sand.u32 $0x1, s1  }
0x8c: {  	s17 =	sshll.u32 s0, $0xA;
	s2 =	sadd.s32 s3, s2  }
0x8d: {  	s2 =	sadd.s32 s2, s17  }
0x8e: {  	[smem:$0x3FC0] =	sst s2  }
0x8f: {  	_ = 	snop  }
0x90: {  	s2 =	sld [smem:$0x3FC8]  }
0x91: {  	s18 =	sld [smem:$0x3FD0];
	(tm) =	ssettm $0x1  }
0x92: {  	s4 =	sld [smem:$0x3FFB];
	_ =	sdelay $0x3  }
0x93: {  	_ =	strace s4  }
0x94: {  	s4 =	sld [smem:$0x3FFC];
	_ =	sdelay $0x3  }
0x95: {  	_ =	strace s4  }
0x96: {  	s4 =	sld [smem:$0x3FFD];
	_ =	sdelay $0x3  }
0x97: {  	_ =	strace s4  }
0x98: {  	_ =	strace $0x8FFFFFFF  }
0x99: {  	s19 =	sld [smem:$0x3FDB];
	_ =	sdelay $0x1  }
0x9a: {  	s5 =	simm.s32 $_scs_section_size  }
0x9b: {  	s6 =	simm.s32 $_size__tile_overlayer_lowered;
	s7 =	simm.s32 $_tile_overlayer_lowered  }
0x9c: {  	s22 =	simm.s32 $0x1BFF;
	s21 =	sshll.u32 s7, $0x1;
	s4 =	sadd.s32 s5, s19  }
0x9d: {  	s8 =	simm.s32 $0x0;
	s20 =	sshll.u32 s6, $0x1;
	s6 =	sadd.s32 s21, s4  }
0x9e: {  	[timem:s8], [sflag:s22] =	dma.local [hbm:s6], s20  }
0x9f: {  	_ =	swait.ge [sflag:s22], s20  }
0xa0: {  	s5 =	ssub.s32 $0x0, s20;
	[sflag:s22] =	ssyncset.done $0x0  }
0xa1: {  	[sflag:s22] =	ssyncadd.s32 s5;
	_ =	sdelay $0x1  }
0xa2: {  	s23 =	simm.s32 $0x1B8B  }
0xa3: {  	_ =	swait.ge [sflag:s23], $0x1  }
0xa4: {  	[sflag:s23] =	ssyncset.done $0x0  }
0xa5: {  	s25 =	simm.s32 $0x1B8E;
	s24 =	sld [smem:$0x3FFE];
	[sflag:s23] =	ssyncadd.s32 $0xFFFFFFFF  }
0xa6: {  	s26 =	simm.s32 $execute0_lowered;
	[smem:$0x3FD2] =	sst s25  }
0xa7: {  	s6 =	sshll.u32 s26, $0x1;
	_ =	strace $0x80000046;
	[dreg:$0x1] =	wrdreg $0xFFFFFFFF  }
0xa8: {  	s28 =	simm.s32 $_size_execute0_lowered;
	s4 =	sadd.s32 s4, s6;
	[dreg:$0x0] =	wrdreg $0x0  }
0xa9: {  	s6 =	sshll.u32 s28, $0x1;
	[dreg:$0x2] =	wrdreg s4  }
0xaa: {  	[dreg:$0x3] =	wrdreg s6  }
0xab: {  	[dreg:$0x4] =	wrdreg $0xC0  }
0xac: {  	_ =	task [dreg:s8], $0x5FFFF  }
0xad: {  	[dreg:$0x1] =	wrdreg $0xFFFFFFFF  }
0xae: {  	[dreg:$0x0] =	wrdreg $0x60  }
0xaf: {  	[dreg:$0x2] =	wrdreg s24  }
0xb0: {  	[dreg:$0x3] =	wrdreg s2  }
0xb1: {  	[dreg:$0x4] =	wrdreg s18  }
0xb2: {  	[dreg:$0x5] =	wrdreg $0x9  }
0xb3: {  	_ =	task.clear_ibuf [dreg:s8], $0x6FFFF;
	_ =	strace $0x90000046  }
0xb4: {  	s29 =	simm.s32 $0x9;
	_ =	strace $0x80000048  }
0xb5: {  	_ =	swait.ge [sflag:s29], $0x1  }
0xb6: {  	[sflag:s29] =	ssyncadd.s32 $0xFFFFFFFF  }
0xb7: {  	_ =	strace $0x90000048  }
0xb8: {  	_ =	sfence  }
0xb9: {  	s30 =	sld [smem:$0x0];
	_ =	sdelay $0x2  }
0xba: {  	s31 =	sshll.u32 s1, $0xD;
	s1 =	sshrl.u32 s1, $0x2  }
0xbb: {  	s3 =	sand.u32 $0x4000, s31;
	s1 =	sadd.s32 s1, s30  }
0xbc: {  	s0 =	sor.u32 s3, s0;
	s1 =	sshll.u32 s1, $0x11  }
0xbd: {  	s0 =	sor.u32 s1, s0  }
0xbe: {  	s0 =	sadd.s32 $0x8F2B, s0  }
0xbf: {  	[sflag:s0] =	ssyncadd.remote.s32 $0x1  }
0xc0: {  	_ =	sfence.sel $0xFFFF  }
0xc1: {  	[dreg:$0x0] =	wrdreg $0xFFFFFFFF;
	(pc) =	sbr.abs _section_cstart, $3  }
0xc2: {  	[dreg:$0x1] =	wrdreg $0xFFFFFFFF  }
0xc3: {  	_ =	task.clear_ibuf [dreg:s8], $0x2FFFF;
	_ =	strace $0x9FFFFFFF  }
0xc4: {  	(tm) =	ssettm $0x7FFFFFFF  }
0xc5: {  	_ =	shalt  }
tec
execute0_lowered:
.L_overlay_start_1:
0x0: {  	(tag) =	ssettag $0x1  }
0x1: {  	s0 =	rddreg [dreg:$0x0]  }
0x2: {  	s2 =	rddreg [dreg:$0x1]  }
0x3: {  	s1 =	rddreg [dreg:$0x2];
	s3 =	srdreg.scid  }
0x4: {  	s7 =	stileid.u32;
	s9 =	simm.s32 $0x3;
	s28 =	simm.s32 $0x100  }
0x5: {  	s29 =	simm.s32 $0x2900;
	s30 =	simm.s32 $0x3100;
	s31 =	simm.s32 $0x3900  }
0x6: {  	s11 =	simm.s32 $0x5100;
	s12 =	simm.s32 $0x5900;
	s13 =	simm.s32 $0x6100  }
0x7: {  	s14 =	simm.s32 $0x6900;
	s15 =	simm.s32 $0x7100;
	s16 =	simm.s32 $0x7900  }
0x8: {  	s17 =	simm.s32 $0x80;
	s18 =	simm.s32 $0x8900;
	s4 =	sand.u32 $0x1, s3  }
0x9: {  	s3 =	simm.s32 $0x0;
	s6 =	sshll.u32 s7, $0x7;
	s7 =	sshll.u32 s7, $0xF  }
0xa: {  	s5 =	sshll.u32 s4, $0x6;
	s19 =	ssub.s32 $0x2, s4;
	s4 =	sshll.u32 s4, $0xE  }
0xb: {  	[smem:$0x7FF] =	sst s3;
	s5 =	sor.u32 s5, s6;
	s4 =	sor.u32 s4, s7  }
0xc: {  	_ =	strace $0x80000047;
	s0 =	sadd.s32 s5, s0;
	s7 =	sadd.s32 s1, s4  }
0xd: {  	s23 =	sshrl.u32 s19, $0x1;
	s20 =	sadd.s32 $0xE00, s0;
	[dreg:$0xb] =	wrdreg s7  }
0xe: {  	s6 =	sadd.s32 $0x200, s2;
	s21 =	sadd.s32 $0xE10, s0;
	[dreg:$0x4] =	wrdreg s20  }
0xf: {  	s4 =	ssub.s32 s19, s23;
	s22 =	sadd.s32 $0xE20, s0;
	[dreg:$0x5] =	wrdreg s21  }
0x10: {  	s5 =	sadd.s32 $0x100, s2;
	s24 =	sadd.s32 $0x1000, s7;
	[dreg:$0x6] =	wrdreg s22  }
0x11: {  	s23 =	simm.s32 $0x900;
	s0 =	sadd.s32 $0xE30, s0;
	[dreg:$0x7] =	wrdreg s24  }
0x12: {  	s19 =	simm.s32 $0x9900;
	s25 =	sadd.s32 $0x2000, s7;
	[dreg:$0x8] =	wrdreg s0  }
0x13: {  	s26 =	sadd.s32 $0x3000, s7;
	s7 =	sadd.s32 $0x300, s2;
	[dreg:$0x9] =	wrdreg s25  }
0x14: {  	v2 =	vlaneseq.u32;
	s8 =	smax.u32 s4, $0x1;
	s4 =	simm.s32 $0x4100;
	[dreg:$0xa] =	wrdreg s26  }
0x15: {  	vm0 =	vmmov $0xffff;
	v1 =	vshrl.u32 v2, $0x3;
	s20 =	simm.s32 $0x1;
	s21 =	simm.s32 $0x2;
	s24 =	simm.s32 $0x1100  }
0x16: {  	v0 =	vand.u32 $0x7, v2;
	v2 =	vor.u32 $0x8, v2;
	v1 =	vmul.u32 $0x8, v1;
	s25 =	simm.s32 $0x1900;
	s26 =	simm.s32 $0x2100;
	s0 =	simm.s32 $0x8100  }
.LBB2_1:
0x17: {  	s22 =	rddreg [dreg:$0x4]  }
0x18: {  	[tilespmem:s3], [sflag:$0x3] =	stream.linear.gather [hbm4b:s22+s3], $0x80, $0x38;
	[tilespmem:$0x10100] =	vst v63  }
0x19: {  	_ =	swait.ge [sflag:s9], $0x80  }
0x1a: {  	[sflag:s9] =	ssyncset.done $0x0  }
0x1b: {  	[sflag:s9] =	ssyncadd.s32 $0xFFFFFF80  }
0x1c: {  	v3 =	vld [tilespmem:$0x0];
	_ =	sdelay $0x4  }
0x1d: {  	v4 =	vshll.u32 v3, $0x3  }
0x1e: {  	v3 =	vand.u32 $0x7, v3;
	v4 =	vand.u32 $0xFFFFFFC0, v4  }
0x1f: {  	v3 =	vor.u32 v3, v4  }
0x20: {  	v4 =	vperm.xlane v3, v0;
	_ =	sdelay $0x1  }
0x21: {  	v4 =	vadd.s32 v1, v4;
	_ =	sdelay $0x4  }
0x22: {  	[tilespmem:s28], [sflag:$0x1] =	stream.indirect_vreg.gather [hbm4b:s2+s3], $0x80, v4, vm0, $0xb8;
	[tilespmem:$0x10100] =	vst v63  }
0x23: {  	v3 =	vperm.xlane v3, v2  }
0x24: {  	[tilespmem:s23], [sflag:$0x1] =	stream.indirect_vreg.gather [hbm4b:s5+s3], $0x80, v4, vm0, $0xb8;
	[tilespmem:$0x10100] =	vst v63  }
0x25: {  	v3 =	vadd.s32 v1, v3  }
0x26: {  	[tilespmem:s24], [sflag:$0x1] =	stream.indirect_vreg.gather [hbm4b:s6+s3], $0x80, v4, vm0, $0xb8;
	[tilespmem:$0x10100] =	vst v63  }
0x27: {  	_ = 	snop  }
0x28: {  	[tilespmem:s25], [sflag:$0x1] =	stream.indirect_vreg.gather [hbm4b:s7+s3], $0x80, v4, vm0, $0xb8;
	[tilespmem:$0x10100] =	vst v63  }
0x29: {  	_ = 	snop  }
0x2a: {  	[tilespmem:s26], [sflag:$0x1] =	stream.indirect_vreg.gather [hbm4b:s2+s3], $0x80, v3, vm0, $0xb8;
	[tilespmem:$0x10100] =	vst v63  }
0x2b: {  	_ = 	snop  }
0x2c: {  	[tilespmem:s29], [sflag:$0x1] =	stream.indirect_vreg.gather [hbm4b:s5+s3], $0x80, v3, vm0, $0xb8;
	[tilespmem:$0x10100] =	vst v63  }
0x2d: {  	_ = 	snop  }
0x2e: {  	[tilespmem:s30], [sflag:$0x1] =	stream.indirect_vreg.gather [hbm4b:s6+s3], $0x80, v3, vm0, $0xb8;
	[tilespmem:$0x10100] =	vst v63  }
0x2f: {  	_ = 	snop  }
0x30: {  	[tilespmem:s31], [sflag:$0x1] =	stream.indirect_vreg.gather [hbm4b:s7+s3], $0x80, v3, vm0, $0xb8;
	[tilespmem:$0x10100] =	vst v63  }
0x31: {  	v3 =	vld [tilespmem:$0x10];
	_ =	sdelay $0x4  }
0x32: {  	v57 =	vshll.u32 v3, $0x3  }
0x33: {  	v3 =	vand.u32 $0x7, v3;
	v4 =	vand.u32 $0xFFFFFFC0, v57  }
0x34: {  	v3 =	vor.u32 v3, v4  }
0x35: {  	v4 =	vperm.xlane v3, v0;
	_ =	sdelay $0x1  }
0x36: {  	v4 =	vadd.s32 v1, v4;
	_ =	sdelay $0x4  }
0x37: {  	[tilespmem:s4], [sflag:$0x1] =	stream.indirect_vreg.gather [hbm4b:s2+s3], $0x80, v4, vm0, $0xb8;
	[tilespmem:$0x10100] =	vst v63  }
0x38: {  	s1 =	simm.s32 $0x4900;
	v3 =	vperm.xlane v3, v2  }
0x39: {  	[tilespmem:s1], [sflag:$0x1] =	stream.indirect_vreg.gather [hbm4b:s5+s3], $0x80, v4, vm0, $0xb8;
	[tilespmem:$0x10100] =	vst v63  }
0x3a: {  	v3 =	vadd.s32 v1, v3  }
0x3b: {  	[tilespmem:s11], [sflag:$0x1] =	stream.indirect_vreg.gather [hbm4b:s6+s3], $0x80, v4, vm0, $0xb8;
	[tilespmem:$0x10100] =	vst v63  }
0x3c: {  	_ = 	snop  }
0x3d: {  	[tilespmem:s12], [sflag:$0x1] =	stream.indirect_vreg.gather [hbm4b:s7+s3], $0x80, v4, vm0, $0xb8;
	[tilespmem:$0x10100] =	vst v63  }
0x3e: {  	_ = 	snop  }
0x3f: {  	[tilespmem:s13], [sflag:$0x1] =	stream.indirect_vreg.gather [hbm4b:s2+s3], $0x80, v3, vm0, $0xb8;
	[tilespmem:$0x10100] =	vst v63  }
0x40: {  	_ = 	snop  }
0x41: {  	[tilespmem:s14], [sflag:$0x1] =	stream.indirect_vreg.gather [hbm4b:s5+s3], $0x80, v3, vm0, $0xb8;
	[tilespmem:$0x10100] =	vst v63  }
0x42: {  	_ = 	snop  }
0x43: {  	[tilespmem:s15], [sflag:$0x1] =	stream.indirect_vreg.gather [hbm4b:s6+s3], $0x80, v3, vm0, $0xb8;
	[tilespmem:$0x10100] =	vst v63  }
0x44: {  	_ = 	snop  }
0x45: {  	[tilespmem:s16], [sflag:$0x1] =	stream.indirect_vreg.gather [hbm4b:s7+s3], $0x80, v3, vm0, $0xb8;
	[tilespmem:$0x10100] =	vst v63  }
0x46: {  	s10 =	rddreg [dreg:$0x5]  }
0x47: {  	[tilespmem:s17], [sflag:$0x3] =	stream.linear.gather [hbm4b:s10+s3], $0x80, $0x38;
	[tilespmem:$0x10100] =	vst v63  }
0x48: {  	_ =	swait.ge [sflag:s9], $0x80  }
0x49: {  	[sflag:s9] =	ssyncset.done $0x0  }
0x4a: {  	[sflag:s9] =	ssyncadd.s32 $0xFFFFFF80  }
0x4b: {  	v3 =	vld [tilespmem:$0x80];
	_ =	sdelay $0x4  }
0x4c: {  	v58 =	vshll.u32 v3, $0x3  }
0x4d: {  	v3 =	vand.u32 $0x7, v3;
	v4 =	vand.u32 $0xFFFFFFC0, v58  }
0x4e: {  	v3 =	vor.u32 v3, v4  }
0x4f: {  	v4 =	vperm.xlane v3, v0;
	_ =	sdelay $0x1  }
0x50: {  	v4 =	vadd.s32 v1, v4;
	_ =	sdelay $0x4  }
0x51: {  	[tilespmem:s0], [sflag:$0x2] =	stream.indirect_vreg.gather [hbm4b:s2+s3], $0x80, v4, vm0, $0xb8;
	[tilespmem:$0x10100] =	vst v63  }
0x52: {  	v3 =	vperm.xlane v3, v2  }
0x53: {  	[tilespmem:s18], [sflag:$0x2] =	stream.indirect_vreg.gather [hbm4b:s5+s3], $0x80, v4, vm0, $0xb8;
	[tilespmem:$0x10100] =	vst v63  }
0x54: {  	s10 =	simm.s32 $0x9100;
	v3 =	vadd.s32 v1, v3  }
0x55: {  	[tilespmem:s10], [sflag:$0x2] =	stream.indirect_vreg.gather [hbm4b:s6+s3], $0x80, v4, vm0, $0xb8;
	[tilespmem:$0x10100] =	vst v63  }
0x56: {  	_ = 	snop  }
0x57: {  	[tilespmem:s19], [sflag:$0x2] =	stream.indirect_vreg.gather [hbm4b:s7+s3], $0x80, v4, vm0, $0xb8;
	[tilespmem:$0x10100] =	vst v63  }
0x58: {  	s10 =	simm.s32 $0xA100  }
0x59: {  	[tilespmem:s10], [sflag:$0x2] =	stream.indirect_vreg.gather [hbm4b:s2+s3], $0x80, v3, vm0, $0xb8;
	[tilespmem:$0x10100] =	vst v63  }
0x5a: {  	s22 =	simm.s32 $0xA900  }
0x5b: {  	[tilespmem:s22], [sflag:$0x2] =	stream.indirect_vreg.gather [hbm4b:s5+s3], $0x80, v3, vm0, $0xb8;
	[tilespmem:$0x10100] =	vst v63  }
0x5c: {  	s22 =	simm.s32 $0xB100  }
0x5d: {  	[tilespmem:s22], [sflag:$0x2] =	stream.indirect_vreg.gather [hbm4b:s6+s3], $0x80, v3, vm0, $0xb8;
	[tilespmem:$0x10100] =	vst v63  }
0x5e: {  	s22 =	simm.s32 $0xB900  }
0x5f: {  	[tilespmem:s22], [sflag:$0x2] =	stream.indirect_vreg.gather [hbm4b:s7+s3], $0x80, v3, vm0, $0xb8;
	[tilespmem:$0x10100] =	vst v63  }
0x60: {  	v3 =	vld [tilespmem:$0x90];
	_ =	sdelay $0x4  }
0x61: {  	v59 =	vshll.u32 v3, $0x3  }
0x62: {  	v3 =	vand.u32 $0x7, v3;
	v4 =	vand.u32 $0xFFFFFFC0, v59  }
0x63: {  	v3 =	vor.u32 v3, v4  }
0x64: {  	v4 =	vperm.xlane v3, v0;
	_ =	sdelay $0x1  }
0x65: {  	v4 =	vadd.s32 v1, v4;
	_ =	sdelay $0x3  }
0x66: {  	s22 =	simm.s32 $0xC100  }
0x67: {  	[tilespmem:s22], [sflag:$0x2] =	stream.indirect_vreg.gather [hbm4b:s2+s3], $0x80, v4, vm0, $0xb8;
	[tilespmem:$0x10100] =	vst v63  }
0x68: {  	v3 =	vperm.xlane v3, v2;
	s22 =	simm.s32 $0xC900  }
0x69: {  	[tilespmem:s22], [sflag:$0x2] =	stream.indirect_vreg.gather [hbm4b:s5+s3], $0x80, v4, vm0, $0xb8;
	[tilespmem:$0x10100] =	vst v63  }
0x6a: {  	v3 =	vadd.s32 v1, v3;
	s22 =	simm.s32 $0xD100  }
0x6b: {  	[tilespmem:s22], [sflag:$0x2] =	stream.indirect_vreg.gather [hbm4b:s6+s3], $0x80, v4, vm0, $0xb8;
	[tilespmem:$0x10100] =	vst v63  }
0x6c: {  	s22 =	simm.s32 $0xD900  }
0x6d: {  	[tilespmem:s22], [sflag:$0x2] =	stream.indirect_vreg.gather [hbm4b:s7+s3], $0x80, v4, vm0, $0xb8;
	[tilespmem:$0x10100] =	vst v63  }
0x6e: {  	s22 =	simm.s32 $0xE100  }
0x6f: {  	[tilespmem:s22], [sflag:$0x2] =	stream.indirect_vreg.gather [hbm4b:s2+s3], $0x80, v3, vm0, $0xb8;
	[tilespmem:$0x10100] =	vst v63  }
0x70: {  	s22 =	simm.s32 $0xE900  }
0x71: {  	[tilespmem:s22], [sflag:$0x2] =	stream.indirect_vreg.gather [hbm4b:s5+s3], $0x80, v3, vm0, $0xb8;
	[tilespmem:$0x10100] =	vst v63  }
0x72: {  	s22 =	simm.s32 $0xF100  }
0x73: {  	[tilespmem:s22], [sflag:$0x2] =	stream.indirect_vreg.gather [hbm4b:s6+s3], $0x80, v3, vm0, $0xb8;
	[tilespmem:$0x10100] =	vst v63  }
0x74: {  	s22 =	simm.s32 $0xF900  }
0x75: {  	[tilespmem:s22], [sflag:$0x2] =	stream.indirect_vreg.gather [hbm4b:s7+s3], $0x80, v3, vm0, $0xb8;
	[tilespmem:$0x10100] =	vst v63  }
0x76: {  	_ =	swait.ge [sflag:s20], $0x8000  }
0x77: {  	[sflag:s20] =	ssyncset.done $0x0  }
0x78: {  	s22 =	rddreg [dreg:$0xb];
	[sflag:s20] =	ssyncadd.s32 $0xFFFF8000  }
0x79: {  	[hbm4b:s22+s3] =	stream.linear.scatter [tilespmem:s28], [sflag:$0x3], $0x8000, $0x38;
	[tilespmem:$0x10100] =	vst v63  }
0x7a: {  	_ =	swait.ge [sflag:s9], $0x8000  }
0x7b: {  	[sflag:s9] =	ssyncset.done $0x0  }
0x7c: {  	s22 =	rddreg [dreg:$0x6];
	[sflag:s9] =	ssyncadd.s32 $0xFFFF8000  }
0x7d: {  	[tilespmem:s3], [sflag:$0x3] =	stream.linear.gather [hbm4b:s22+s3], $0x80, $0x38;
	[tilespmem:$0x10100] =	vst v63  }
0x7e: {  	_ =	swait.ge [sflag:s9], $0x80  }
0x7f: {  	[sflag:s9] =	ssyncset.done $0x0  }
0x80: {  	[sflag:s9] =	ssyncadd.s32 $0xFFFFFF80  }
0x81: {  	v3 =	vld [tilespmem:$0x0];
	_ =	sdelay $0x4  }
0x82: {  	v60 =	vshll.u32 v3, $0x3  }
0x83: {  	v3 =	vand.u32 $0x7, v3;
	v4 =	vand.u32 $0xFFFFFFC0, v60  }
0x84: {  	v3 =	vor.u32 v3, v4  }
0x85: {  	v4 =	vperm.xlane v3, v0;
	_ =	sdelay $0x1  }
0x86: {  	v4 =	vadd.s32 v1, v4;
	_ =	sdelay $0x4  }
0x87: {  	[tilespmem:s28], [sflag:$0x1] =	stream.indirect_vreg.gather [hbm4b:s2+s3], $0x80, v4, vm0, $0xb8;
	[tilespmem:$0x10100] =	vst v63  }
0x88: {  	v3 =	vperm.xlane v3, v2  }
0x89: {  	[tilespmem:s23], [sflag:$0x1] =	stream.indirect_vreg.gather [hbm4b:s5+s3], $0x80, v4, vm0, $0xb8;
	[tilespmem:$0x10100] =	vst v63  }
0x8a: {  	v3 =	vadd.s32 v1, v3  }
0x8b: {  	[tilespmem:s24], [sflag:$0x1] =	stream.indirect_vreg.gather [hbm4b:s6+s3], $0x80, v4, vm0, $0xb8;
	[tilespmem:$0x10100] =	vst v63  }
0x8c: {  	_ = 	snop  }
0x8d: {  	[tilespmem:s25], [sflag:$0x1] =	stream.indirect_vreg.gather [hbm4b:s7+s3], $0x80, v4, vm0, $0xb8;
	[tilespmem:$0x10100] =	vst v63  }
0x8e: {  	_ = 	snop  }
0x8f: {  	[tilespmem:s26], [sflag:$0x1] =	stream.indirect_vreg.gather [hbm4b:s2+s3], $0x80, v3, vm0, $0xb8;
	[tilespmem:$0x10100] =	vst v63  }
0x90: {  	_ = 	snop  }
0x91: {  	[tilespmem:s29], [sflag:$0x1] =	stream.indirect_vreg.gather [hbm4b:s5+s3], $0x80, v3, vm0, $0xb8;
	[tilespmem:$0x10100] =	vst v63  }
0x92: {  	_ = 	snop  }
0x93: {  	[tilespmem:s30], [sflag:$0x1] =	stream.indirect_vreg.gather [hbm4b:s6+s3], $0x80, v3, vm0, $0xb8;
	[tilespmem:$0x10100] =	vst v63  }
0x94: {  	_ = 	snop  }
0x95: {  	[tilespmem:s31], [sflag:$0x1] =	stream.indirect_vreg.gather [hbm4b:s7+s3], $0x80, v3, vm0, $0xb8;
	[tilespmem:$0x10100] =	vst v63  }
0x96: {  	v3 =	vld [tilespmem:$0x10];
	_ =	sdelay $0x4  }
0x97: {  	v61 =	vshll.u32 v3, $0x3  }
0x98: {  	v3 =	vand.u32 $0x7, v3;
	v4 =	vand.u32 $0xFFFFFFC0, v61  }
0x99: {  	v3 =	vor.u32 v3, v4  }
0x9a: {  	v4 =	vperm.xlane v3, v0;
	_ =	sdelay $0x1  }
0x9b: {  	v4 =	vadd.s32 v1, v4;
	_ =	sdelay $0x4  }
0x9c: {  	[tilespmem:s4], [sflag:$0x1] =	stream.indirect_vreg.gather [hbm4b:s2+s3], $0x80, v4, vm0, $0xb8;
	[tilespmem:$0x10100] =	vst v63  }
0x9d: {  	v3 =	vperm.xlane v3, v2  }
0x9e: {  	[tilespmem:s1], [sflag:$0x1] =	stream.indirect_vreg.gather [hbm4b:s5+s3], $0x80, v4, vm0, $0xb8;
	[tilespmem:$0x10100] =	vst v63  }
0x9f: {  	v3 =	vadd.s32 v1, v3  }
0xa0: {  	[tilespmem:s11], [sflag:$0x1] =	stream.indirect_vreg.gather [hbm4b:s6+s3], $0x80, v4, vm0, $0xb8;
	[tilespmem:$0x10100] =	vst v63  }
0xa1: {  	_ = 	snop  }
0xa2: {  	[tilespmem:s12], [sflag:$0x1] =	stream.indirect_vreg.gather [hbm4b:s7+s3], $0x80, v4, vm0, $0xb8;
	[tilespmem:$0x10100] =	vst v63  }
0xa3: {  	_ = 	snop  }
0xa4: {  	[tilespmem:s13], [sflag:$0x1] =	stream.indirect_vreg.gather [hbm4b:s2+s3], $0x80, v3, vm0, $0xb8;
	[tilespmem:$0x10100] =	vst v63  }
0xa5: {  	_ = 	snop  }
0xa6: {  	[tilespmem:s14], [sflag:$0x1] =	stream.indirect_vreg.gather [hbm4b:s5+s3], $0x80, v3, vm0, $0xb8;
	[tilespmem:$0x10100] =	vst v63  }
0xa7: {  	_ = 	snop  }
0xa8: {  	[tilespmem:s15], [sflag:$0x1] =	stream.indirect_vreg.gather [hbm4b:s6+s3], $0x80, v3, vm0, $0xb8;
	[tilespmem:$0x10100] =	vst v63  }
0xa9: {  	_ = 	snop  }
0xaa: {  	[tilespmem:s16], [sflag:$0x1] =	stream.indirect_vreg.gather [hbm4b:s7+s3], $0x80, v3, vm0, $0xb8;
	[tilespmem:$0x10100] =	vst v63  }
0xab: {  	_ =	swait.ge [sflag:s21], $0x8000  }
0xac: {  	[sflag:s21] =	ssyncset.done $0x0  }
0xad: {  	s1 =	rddreg [dreg:$0x7];
	[sflag:s21] =	ssyncadd.s32 $0xFFFF8000  }
0xae: {  	[hbm4b:s1+s3] =	stream.linear.scatter [tilespmem:s0], [sflag:$0x3], $0x8000, $0x38;
	[tilespmem:$0x10100] =	vst v63  }
0xaf: {  	_ =	swait.ge [sflag:s9], $0x8000  }
0xb0: {  	[sflag:s9] =	ssyncset.done $0x0  }
0xb1: {  	s1 =	rddreg [dreg:$0x8];
	[sflag:s9] =	ssyncadd.s32 $0xFFFF8000  }
0xb2: {  	[tilespmem:s17], [sflag:$0x3] =	stream.linear.gather [hbm4b:s1+s3], $0x80, $0x38;
	[tilespmem:$0x10100] =	vst v63  }
0xb3: {  	_ =	swait.ge [sflag:s9], $0x80  }
0xb4: {  	[sflag:s9] =	ssyncset.done $0x0  }
0xb5: {  	[sflag:s9] =	ssyncadd.s32 $0xFFFFFF80  }
0xb6: {  	v3 =	vld [tilespmem:$0x80];
	_ =	sdelay $0x4  }
0xb7: {  	v62 =	vshll.u32 v3, $0x3  }
0xb8: {  	v3 =	vand.u32 $0x7, v3;
	v4 =	vand.u32 $0xFFFFFFC0, v62  }
0xb9: {  	v3 =	vor.u32 v3, v4  }
0xba: {  	v4 =	vperm.xlane v3, v0;
	_ =	sdelay $0x1  }
0xbb: {  	v4 =	vadd.s32 v1, v4;
	_ =	sdelay $0x4  }
0xbc: {  	[tilespmem:s0], [sflag:$0x2] =	stream.indirect_vreg.gather [hbm4b:s2+s3], $0x80, v4, vm0, $0xb8;
	[tilespmem:$0x10100] =	vst v63  }
0xbd: {  	v3 =	vperm.xlane v3, v2  }
0xbe: {  	[tilespmem:s18], [sflag:$0x2] =	stream.indirect_vreg.gather [hbm4b:s5+s3], $0x80, v4, vm0, $0xb8;
	[tilespmem:$0x10100] =	vst v63  }
0xbf: {  	s22 =	simm.s32 $0x9100;
	v3 =	vadd.s32 v1, v3  }
0xc0: {  	[tilespmem:s22], [sflag:$0x2] =	stream.indirect_vreg.gather [hbm4b:s6+s3], $0x80, v4, vm0, $0xb8;
	[tilespmem:$0x10100] =	vst v63  }
0xc1: {  	_ = 	snop  }
0xc2: {  	[tilespmem:s19], [sflag:$0x2] =	stream.indirect_vreg.gather [hbm4b:s7+s3], $0x80, v4, vm0, $0xb8;
	[tilespmem:$0x10100] =	vst v63  }
0xc3: {  	_ = 	snop  }
0xc4: {  	[tilespmem:s10], [sflag:$0x2] =	stream.indirect_vreg.gather [hbm4b:s2+s3], $0x80, v3, vm0, $0xb8;
	[tilespmem:$0x10100] =	vst v63  }
0xc5: {  	s22 =	simm.s32 $0xA900  }
0xc6: {  	[tilespmem:s22], [sflag:$0x2] =	stream.indirect_vreg.gather [hbm4b:s5+s3], $0x80, v3, vm0, $0xb8;
	[tilespmem:$0x10100] =	vst v63  }
0xc7: {  	s10 =	simm.s32 $0xB100  }
0xc8: {  	[tilespmem:s10], [sflag:$0x2] =	stream.indirect_vreg.gather [hbm4b:s6+s3], $0x80, v3, vm0, $0xb8;
	[tilespmem:$0x10100] =	vst v63  }
0xc9: {  	s22 =	simm.s32 $0xB900  }
0xca: {  	[tilespmem:s22], [sflag:$0x2] =	stream.indirect_vreg.gather [hbm4b:s7+s3], $0x80, v3, vm0, $0xb8;
	[tilespmem:$0x10100] =	vst v63  }
0xcb: {  	v3 =	vld [tilespmem:$0x90];
	_ =	sdelay $0x4  }
0xcc: {  	v63 =	vshll.u32 v3, $0x3  }
0xcd: {  	v3 =	vand.u32 $0x7, v3;
	v4 =	vand.u32 $0xFFFFFFC0, v63  }
0xce: {  	v3 =	vor.u32 v3, v4  }
0xcf: {  	v4 =	vperm.xlane v3, v0;
	_ =	sdelay $0x1  }
0xd0: {  	v4 =	vadd.s32 v1, v4;
	_ =	sdelay $0x3  }
0xd1: {  	s10 =	simm.s32 $0xC100  }
0xd2: {  	[tilespmem:s10], [sflag:$0x2] =	stream.indirect_vreg.gather [hbm4b:s2+s3], $0x80, v4, vm0, $0xb8;
	[tilespmem:$0x10100] =	vst v63  }
0xd3: {  	s22 =	simm.s32 $0xC900;
	v3 =	vperm.xlane v3, v2  }
0xd4: {  	[tilespmem:s22], [sflag:$0x2] =	stream.indirect_vreg.gather [hbm4b:s5+s3], $0x80, v4, vm0, $0xb8;
	[tilespmem:$0x10100] =	vst v63  }
0xd5: {  	v3 =	vadd.s32 v1, v3;
	s10 =	simm.s32 $0xD100  }
0xd6: {  	[tilespmem:s10], [sflag:$0x2] =	stream.indirect_vreg.gather [hbm4b:s6+s3], $0x80, v4, vm0, $0xb8;
	[tilespmem:$0x10100] =	vst v63  }
0xd7: {  	s22 =	simm.s32 $0xD900  }
0xd8: {  	[tilespmem:s22], [sflag:$0x2] =	stream.indirect_vreg.gather [hbm4b:s7+s3], $0x80, v4, vm0, $0xb8;
	[tilespmem:$0x10100] =	vst v63  }
0xd9: {  	s10 =	simm.s32 $0xE100  }
0xda: {  	[tilespmem:s10], [sflag:$0x2] =	stream.indirect_vreg.gather [hbm4b:s2+s3], $0x80, v3, vm0, $0xb8;
	[tilespmem:$0x10100] =	vst v63  }
0xdb: {  	s22 =	simm.s32 $0xE900  }
0xdc: {  	[tilespmem:s22], [sflag:$0x2] =	stream.indirect_vreg.gather [hbm4b:s5+s3], $0x80, v3, vm0, $0xb8;
	[tilespmem:$0x10100] =	vst v63  }
0xdd: {  	s10 =	simm.s32 $0xF100  }
0xde: {  	[tilespmem:s10], [sflag:$0x2] =	stream.indirect_vreg.gather [hbm4b:s6+s3], $0x80, v3, vm0, $0xb8;
	[tilespmem:$0x10100] =	vst v63  }
0xdf: {  	s22 =	simm.s32 $0xF900  }
0xe0: {  	[tilespmem:s22], [sflag:$0x2] =	stream.indirect_vreg.gather [hbm4b:s7+s3], $0x80, v3, vm0, $0xb8;
	[tilespmem:$0x10100] =	vst v63  }
0xe1: {  	_ =	swait.ge [sflag:s20], $0x8000  }
0xe2: {  	[sflag:s20] =	ssyncset.done $0x0  }
0xe3: {  	s1 =	rddreg [dreg:$0x9];
	[sflag:s20] =	ssyncadd.s32 $0xFFFF8000  }
0xe4: {  	[hbm4b:s1+s3] =	stream.linear.scatter [tilespmem:s28], [sflag:$0x3], $0x8000, $0x38;
	[tilespmem:$0x10100] =	vst v63  }
0xe5: {  	_ =	swait.ge [sflag:s9], $0x8000  }
0xe6: {  	[sflag:s9] =	ssyncset.done $0x0  }
0xe7: {  	[sflag:s9] =	ssyncadd.s32 $0xFFFF8000  }
0xe8: {  	_ =	swait.ge [sflag:s21], $0x8000  }
0xe9: {  	p0 =	sne.s32 s8, $0x1;
	[sflag:s21] =	ssyncset.done $0x0  }
.Ltmp0:
0xea: {  	s10 =	rddreg [dreg:$0xa];
	[sflag:s21] =	ssyncadd.s32 $0xFFFF8000;
	(pc) =	sbr.rel @p0 .LBB2_1-.Ltmp0, $4  }
0xeb: {  	[hbm4b:s10+s3] =	stream.linear.scatter [tilespmem:s0], [sflag:$0x3], $0x8000, $0x38;
	[tilespmem:$0x10100] =	vst v63  }
0xec: {  	_ =	swait.ge [sflag:s9], $0x8000  }
0xed: {  	[sflag:s9] =	ssyncset.done $0x0  }
0xee: {  	s8 =	sadd.s32 $0xFFFFFFFF, s8;
	[sflag:s9] =	ssyncadd.s32 $0xFFFF8000  }
0xef: {  	_ =	sfence.sel $0x180000  }
0xf0: {  	[bflag:$0x0] =	sbarrier.arrive $0xFFFF  }
0xf1: {  	_ =	strace $0x90000047  }
0xf2: {  	s0 =	stileid.u32;
	[bflag:$0x2] =	sbarrier.arrive $0xFFFF  }
0xf3: {  	p0 =	sne.s32 s0, $0x0;
	s0 =	rddreg [dreg:$0x3]  }
0xf4: {  	s0 =	sadd.s32 @!p0 $0x100000, s0  }
0xf5: {  	[sflag:s0] =	ssyncadd.tile.s32 @!p0 $0x1;
	_ =	shalt  }
.Lfunc_end2:
_tile_overlayer_lowered:
.L_overlay_start_2:
0xf6: {  	(tag) =	ssettag $0x2  }
0xf7: {  	s0 =	rddreg [dreg:$0x0];
	s2 =	stileid.u32  }
0xf8: {  	s1 =	rddreg [dreg:$0x1];
	p0 =	sne.s32 s2, $0x0  }
0xf9: {  	s3 =	rddreg [dreg:$0x2];
	[bflag:$0x3] =	sbarrier.arrive $0xFFFF;
	s2 =	simm.s32 @!p0 $0x1C03  }
0xfa: {  	[timem:s3], [sflag:s2] =	dma.local @!p0 [hbm:s0], s1  }
0xfb: {  	s0 =	simm.s32 @!p0 $0x3  }
0xfc: {  	_ =	swait.ge @!p0 [sflag:s0], s1  }
0xfd: {  	s1 =	ssub.s32 @!p0 $0x0, s1;
	[sflag:s0] =	ssyncset.done @!p0 $0x0  }
0xfe: {  	[sflag:s0] =	ssyncadd.s32 @!p0 s1  }
0xff: {  	[bflag:$0x3] =	sbarrier.arrive $0xFFFF  }
0x100: {  	_ =	shalt  }

</sc_bundles>
